<compile_context>
chip_gen: v7x
topology: tpu7x:2x2x1
jax: 0.10.2.dev20260603
libtpu: 0.0.44.dev20260713+nightly
codegen_flags: <defaults>
</compile_context>

<pallas_src>
import functools

import jax
import jax.numpy as jnp
from jax import lax
from jax.experimental import pallas as pl
from jax.experimental.pallas import tpu as pltpu
from jax.experimental.pallas import tpu_sc as plsc




def _occ_sc_body(B, C, NCH, CP, added_hbm, out_hbm, rows_v, occ_v, sem):
    cid = lax.axis_index("c")
    sid = lax.axis_index("s")
    w = sid * 2 + cid

    def per_batch(b, carry):
        base = (b * C) * NCH + w
        idx = lax.iota(jnp.int32, 16) * NCH + base
        pltpu.async_copy(added_hbm.at[idx], rows_v, sem).wait()

        def per_vec(i, carry2):
            o = i * 16
            acc = rows_v[0, pl.ds(o, 16)]
            for c in range(1, C):
                acc = acc + rows_v[c, pl.ds(o, 16)]
            occ_v[pl.ds(o, 16)] = jnp.where(jnp.abs(acc) > 0.0, 1.0, 0.0)
            return carry2

        lax.fori_loop(0, CP // 16, per_vec, 0, unroll=4)
        pltpu.sync_copy(occ_v, out_hbm.at[b * NCH + w])
        return carry

    lax.fori_loop(0, B, per_batch, 0)


def _occ_sc(added_points):
    B, C, H, W = added_points.shape
    NCH = 32
    CP = (H * W) // NCH
    a2 = added_points.reshape(B * C * NCH, CP)

    mesh = plsc.VectorSubcoreMesh(core_axis_name="c", subcore_axis_name="s",
                                  num_cores=2)
    kern = pl.kernel(
        functools.partial(_occ_sc_body, B, C, NCH, CP),
        mesh=mesh,
        out_type=jax.ShapeDtypeStruct((B * NCH, CP), jnp.float32),
        scratch_types=[
            pltpu.VMEM((C, CP), jnp.float32),
            pltpu.VMEM((CP,), jnp.float32),
            pltpu.SemaphoreType.DMA,
        ],
    )
    return kern(a2).reshape(B, H, W)




def _cov_body(orig_ref, boxes_ref, boxesT_ref, m1_ref, m2_ref):
    H = orig_ref.shape[2]
    W = orig_ref.shape[3]

    orig = jnp.sum(orig_ref[0, 1:], axis=0)
    occ_o = jnp.abs(orig) > 0.0

    bT = boxesT_ref[0]
    bC = boxes_ref[0]
    M = bC.shape[0]

    c_r = jnp.cos(bT[6:7, :])
    s_r = jnp.sin(bT[6:7, :])
    zok_r = jnp.abs(bT[2:3, :]) < bT[5:6, :] * 0.5
    iex_r = 2.0 / bT[3:4, :]
    iey_r = 2.0 / bT[4:5, :]
    tx_r = jnp.where(zok_r, -(bT[0:1, :] * c_r + bT[1:2, :] * s_r) * iex_r, 1e9)
    ty_r = jnp.where(zok_r, (bT[0:1, :] * s_r - bT[1:2, :] * c_r) * iey_r, 1e9)

    c_c = jnp.cos(bC[:, 6:7])
    s_c = jnp.sin(bC[:, 6:7])
    iex_c = 2.0 / bC[:, 3:4]
    iey_c = 2.0 / bC[:, 4:5]

    xcol = lax.broadcasted_iota(jnp.int32, (H, 1), 0).astype(jnp.float32) * 0.8
    U1 = xcol * (c_r * iex_r) + tx_r
    U2 = xcol * (-s_r * iey_r) + ty_r

    yrow = lax.broadcasted_iota(jnp.int32, (1, W), 1).astype(jnp.float32) * 0.8
    V1 = (s_c * iex_c) * yrow
    V2 = (c_c * iey_c) * yrow

    score = None
    for m in range(M):
        lx = U1[:, m : m + 1] + V1[m : m + 1, :]
        ly = U2[:, m : m + 1] + V2[m : m + 1, :]
        d = jnp.maximum(jnp.abs(lx), jnp.abs(ly))
        score = d if score is None else jnp.minimum(score, d)
    in_any = score < 1.0

    m1_ref[0] = jnp.where(jnp.logical_and(in_any, occ_o), 1.0, 0.0)
    m2_ref[0] = jnp.where(in_any, 1.0, 0.0)


def _coverage_tc(original_points, boxes, boxesT):
    B, C1, H, W = original_points.shape
    M = boxes.shape[1]
    return pl.pallas_call(
        _cov_body,
        grid=(B,),
        in_specs=[
            pl.BlockSpec((1, C1, H, W), lambda b: (b, 0, 0, 0)),
            pl.BlockSpec((1, M, 7), lambda b: (b, 0, 0)),
            pl.BlockSpec((1, 7, M), lambda b: (b, 0, 0)),
        ],
        out_specs=[
            pl.BlockSpec((1, H, W), lambda b: (b, 0, 0)),
            pl.BlockSpec((1, H, W), lambda b: (b, 0, 0)),
        ],
        out_shape=[
            jax.ShapeDtypeStruct((B, H, W), jnp.float32),
            jax.ShapeDtypeStruct((B, H, W), jnp.float32),
        ],
        compiler_params=pltpu.CompilerParams(
            dimension_semantics=("arbitrary",)),
    )(original_points, boxes, boxesT)




def _comb_body(occp_ref, m1_ref, m2_ref, out_ref):
    H = occp_ref.shape[1]
    W = occp_ref.shape[2]
    occp = occp_ref[0]
    m1 = m1_ref[0]
    m2 = m2_ref[0]
    w_i = occp * m1
    w_u = jnp.maximum(m1, occp * m2)
    fi = jnp.zeros((8, 128), jnp.float32)
    fu = jnp.zeros((8, 128), jnp.float32)
    for r in range(H // 8):
        for cc in range(W // 128):
            fi = fi + w_i[8 * r : 8 * r + 8, 128 * cc : 128 * cc + 128]
            fu = fu + w_u[8 * r : 8 * r + 8, 128 * cc : 128 * cc + 128]
    inter = jnp.sum(fi)
    union = jnp.sum(fu)
    lane = lax.broadcasted_iota(jnp.int32, (1, 1, 128), 2)
    out_ref[...] = (jnp.where(lane == 0, inter, 0.0)
                    + jnp.where(lane == 1, union, 0.0))


def _combine_tc(occ_p, m1, m2):
    B, H, W = occ_p.shape
    return pl.pallas_call(
        _comb_body,
        grid=(B,),
        in_specs=[
            pl.BlockSpec((1, H, W), lambda b: (b, 0, 0)),
            pl.BlockSpec((1, H, W), lambda b: (b, 0, 0)),
            pl.BlockSpec((1, H, W), lambda b: (b, 0, 0)),
        ],
        out_specs=pl.BlockSpec((1, 1, 128), lambda b: (b, 0, 0)),
        out_shape=jax.ShapeDtypeStruct((B, 1, 128), jnp.float32),
        compiler_params=pltpu.CompilerParams(
            dimension_semantics=("arbitrary",)),
    )(occ_p, m1, m2)


def kernel(added_points, original_points, boxes):
    M = boxes.shape[1]
    boxesT = jnp.transpose(boxes, (0, 2, 1))

    occ_p = _occ_sc(added_points)
    m1, m2 = _coverage_tc(original_points, boxes, boxesT)
    out = _combine_tc(occ_p, m1, m2)

    inter = out[:, 0, 0]
    union = out[:, 0, 1]
    return jnp.mean(M * inter / (union + 1e-6))

# --- scband reference (transcript-rebuilt; emitter-appended) ---
"""Pipeline reference for scband-points-loss-42082089566222 (READ-ONLY COPY).

The authoritative reference and input builder live on the scoring server;
editing this copy changes nothing except your own understanding.
"""

import jax, jax.numpy as jnp
import numpy as np


def _points_in_boxes(points, boxes):
    # points: (N, 3), boxes: (M, 7) [cx, cy, cz, dx, dy, dz, heading]
    # returns float32 (M, N) indicator, mirroring roiaware_pool3d points_in_boxes_gpu
    px = points[:, 0]
    py = points[:, 1]
    pz = points[:, 2]
    cx = boxes[:, 0:1]
    cy = boxes[:, 1:2]
    cz = boxes[:, 2:3]
    dx = boxes[:, 3:4]
    dy = boxes[:, 4:5]
    dz = boxes[:, 5:6]
    h = boxes[:, 6:7]
    sx = px[None, :] - cx
    sy = py[None, :] - cy
    c = jnp.cos(h)
    s = jnp.sin(h)
    lx = sx * c + sy * s
    ly = -sx * s + sy * c
    in_x = (jnp.abs(lx) < dx * 0.5).astype(jnp.float32)
    in_y = (jnp.abs(ly) < dy * 0.5).astype(jnp.float32)
    in_z = (jnp.abs(pz[None, :] - cz) < dz * 0.5).astype(jnp.float32)
    return in_x * in_y * in_z


def setup_inputs(seed: int = 0):
    key = jax.random.key(seed)
    k1, k2, k3, k4, k5 = jax.random.split(key, 5)
    B, C, H, W, M = 8, 16, 256, 256, 20
    added_points = jax.random.normal(k1, (B, C, H, W), dtype=jnp.float32)
    original_points = jax.random.normal(k2, (B, C + 1, H, W), dtype=jnp.float32)
    centers = jax.random.uniform(k3, (B, M, 2), minval=0.0, maxval=200.0, dtype=jnp.float32)
    sizes = jax.random.uniform(k4, (B, M, 2), minval=5.0, maxval=30.0, dtype=jnp.float32)
    heading = jax.random.uniform(k5, (B, M, 1), minval=-np.pi, maxval=np.pi, dtype=jnp.float32)
    z = jnp.zeros((B, M, 1), dtype=jnp.float32)
    dz = jnp.full((B, M, 1), 4.0, dtype=jnp.float32)
    boxes = jnp.concatenate([centers, z, sizes, dz, heading], axis=2)
    return {"added_points": added_points, "original_points": original_points, "boxes": boxes}


def reference(added_points, original_points, boxes):
    # strip leading channel of original_points, collapse channel dim (as in torch forward)
    original_points = original_points[:, 1:, :, :]
    pred = jnp.sum(added_points, axis=1)  # (B, H, W)
    orig = jnp.sum(original_points, axis=1)  # (B, H, W)
    B, H, W = pred.shape
    num_boxes = boxes.shape[1]
    ii, jj = jnp.meshgrid(jnp.arange(H, dtype=jnp.float32), jnp.arange(W, dtype=jnp.float32), indexing="ij")
    # nonzero grid indices scaled by 0.8 with z=0, as in torch code (dense-mask formulation)
    coords = jnp.stack([ii.reshape(-1) * 0.8, jj.reshape(-1) * 0.8, jnp.zeros(H * W, dtype=jnp.float32)], axis=1)
    iou = jnp.float32(0.0)
    for i in range(B):
        occ_p = (jnp.abs(pred[i].reshape(-1)) > 0).astype(jnp.float32)
        occ_o = (jnp.abs(orig[i].reshape(-1)) > 0).astype(jnp.float32)
        inb = _points_in_boxes(coords, boxes[i])  # (M, H*W)
        in_any = (jnp.sum(inb, axis=0) > 0).astype(jnp.float32)
        grid_p = occ_p * in_any
        grid_o = occ_o * in_any
        inter = jnp.sum(grid_p * grid_o)
        union = jnp.sum(jnp.maximum(grid_p, grid_o))
        # inner torch loop over boxes adds the same intersection/union num_boxes times
        iou = iou + num_boxes * inter / (union + 1e-6)
    return iou / B

if __name__ == "__main__":
    import jax
    _d = setup_inputs()
    print(jax.jit(kernel)(*tuple(_d.values())))

</pallas_src>

<mosaic_0001>
#map = affine_map<(d0, d1) -> (0, 0)>
module attributes {stable_mosaic.version = 14 : i64} {
  func.func @_occ_sc_body(%arg0: i32, %arg1: i32, %arg2: memref<4096x2048xf32, #tpu.memory_space<hbm>>, %arg3: memref<256x2048xf32, #tpu.memory_space<hbm>>, %arg4: memref<16x2048xf32, #tpu.memory_space<vmem>>, %arg5: memref<2048xf32, #tpu.memory_space<vmem>>, %arg6: memref<!tpu.dma_semaphore, #tpu.memory_space<semaphore_mem>>) attributes {dimension_semantics = [#tpu.dimension_semantics<core_parallel>, #tpu.dimension_semantics<subcore_parallel>], iteration_bounds = array<i64: 2, 16>, scalar_prefetch = 0 : i64, scratch_operands = 3 : i64, tpu.core_type = #tpu.core_type<sc_vector_subcore>, window_params = [{transform_indices = #map}, {transform_indices = #map}]} {
    %mul3A = arith.constant 2 : i32
    %mul3A_0 = arith.muli %arg1, %mul3A : i32
    %add3A = arith.addi %mul3A_0, %arg0 : i32
    %scan3A = arith.constant 0 : i32
    %scan3A_1 = arith.constant 0 : i32
    %scan3A_2 = arith.constant 8 : i32
    %scan3A_3 = arith.addi %scan3A_1, %scan3A_2 : i32
    %scan3A_4 = arith.constant 1 : i32
    scf.for %scan3A_6 = %scan3A_1 to %scan3A_3 step %scan3A_4  : i32 {
      %mul3A_7 = arith.constant 16 : i32
      %mul3A_8 = arith.muli %scan3A_6, %mul3A_7 : i32
      %mul3A_9 = arith.constant 32 : i32
      %mul3A_10 = arith.muli %mul3A_8, %mul3A_9 : i32
      %add3A_11 = arith.addi %mul3A_10, %add3A : i32
      %iota3A = tpu.iota {dimensions = array<i32: 0>} : vector<16xi32>
      %mul3A_12 = arith.constant 32 : i32
      %mul3A_13 = vector.broadcast %mul3A_12 : i32 to vector<16xi32>
      %mul3A_14 = arith.muli %iota3A, %mul3A_13 : vector<16xi32>
      %add3A_15 = vector.broadcast %add3A_11 : i32 to vector<16xi32>
      %add3A_16 = arith.addi %mul3A_14, %add3A_15 : vector<16xi32>
      %dma_start3A = arith.constant 0 : i32
      %dma_start3A_17 = arith.constant 0 : i32
      %dma_start3A_18 = tpu.memref_slice %arg2[%dma_start3A, %dma_start3A_17] : memref<4096x2048xf32, #tpu.memory_space<hbm>> -> memref<4096x2048xf32, #tpu.memory_space<hbm>>
      tpu.enqueue_indirect_dma source(%dma_start3A_18 : memref<4096x2048xf32, #tpu.memory_space<hbm>>) target(%arg4 : memref<16x2048xf32, #tpu.memory_space<vmem>>) offsets(%add3A_16 : vector<16xi32>) semaphore(%arg6 : memref<!tpu.dma_semaphore, #tpu.memory_space<semaphore_mem>>)
      %dma_wait3A = arith.constant 0 : i32
      %dma_wait3A_19 = arith.constant 0 : i32
      %dma_wait3A_20 = tpu.memref_slice %arg2[%dma_wait3A, %dma_wait3A_19] : memref<4096x2048xf32, #tpu.memory_space<hbm>> -> memref<4096x2048xf32, #tpu.memory_space<hbm>>
      tpu.wait_indirect_dma semaphore(%arg6 : memref<!tpu.dma_semaphore, #tpu.memory_space<semaphore_mem>>) src(%dma_wait3A_20 : memref<4096x2048xf32, #tpu.memory_space<hbm>>) dst(%arg4 : memref<16x2048xf32, #tpu.memory_space<vmem>>)
      %scan3A_21 = arith.constant 0 : i32
      %scan3A_22 = arith.constant 0 : i32
      %scan3A_23 = arith.constant 128 : i32
      %scan3A_24 = arith.addi %scan3A_22, %scan3A_23 : i32
      %scan3A_25 = arith.constant 4 : i32
      scf.for %scan3A_30 = %scan3A_22 to %scan3A_24 step %scan3A_25  : i32 {
        %mul3A_31 = arith.constant 16 : i32
        %mul3A_32 = arith.muli %scan3A_30, %mul3A_31 : i32
        %get3A = arith.constant 0 : i32
        %get3A_33 = arith.index_cast %get3A : i32 to index
        %get3A_34 = arith.index_cast %mul3A_32 : i32 to index
        %get3A_35 = tpu.vector_load %arg4[%get3A_33, %get3A_34] {strides = array<i32>} : memref<16x2048xf32, #tpu.memory_space<vmem>>, vector<1x16xf32>,
        %get3A_36 = vector.shape_cast %get3A_35 : vector<1x16xf32> to vector<16xf32>
        %get3A_37 = arith.constant 1 : i32
        %get3A_38 = arith.index_cast %get3A_37 : i32 to index
        %get3A_39 = arith.index_cast %mul3A_32 : i32 to index
        %get3A_40 = tpu.vector_load %arg4[%get3A_38, %get3A_39] {strides = array<i32>} : memref<16x2048xf32, #tpu.memory_space<vmem>>, vector<1x16xf32>,
        %get3A_41 = vector.shape_cast %get3A_40 : vector<1x16xf32> to vector<16xf32>
        %add3A_42 = arith.addf %get3A_36, %get3A_41 : vector<16xf32>
        %get3A_43 = arith.constant 2 : i32
        %get3A_44 = arith.index_cast %get3A_43 : i32 to index
        %get3A_45 = arith.index_cast %mul3A_32 : i32 to index
        %get3A_46 = tpu.vector_load %arg4[%get3A_44, %get3A_45] {strides = array<i32>} : memref<16x2048xf32, #tpu.memory_space<vmem>>, vector<1x16xf32>,
        %get3A_47 = vector.shape_cast %get3A_46 : vector<1x16xf32> to vector<16xf32>
        %add3A_48 = arith.addf %add3A_42, %get3A_47 : vector<16xf32>
        %get3A_49 = arith.constant 3 : i32
        %get3A_50 = arith.index_cast %get3A_49 : i32 to index
        %get3A_51 = arith.index_cast %mul3A_32 : i32 to index
        %get3A_52 = tpu.vector_load %arg4[%get3A_50, %get3A_51] {strides = array<i32>} : memref<16x2048xf32, #tpu.memory_space<vmem>>, vector<1x16xf32>,
        %get3A_53 = vector.shape_cast %get3A_52 : vector<1x16xf32> to vector<16xf32>
        %add3A_54 = arith.addf %add3A_48, %get3A_53 : vector<16xf32>
        %get3A_55 = arith.constant 4 : i32
        %get3A_56 = arith.index_cast %get3A_55 : i32 to index
        %get3A_57 = arith.index_cast %mul3A_32 : i32 to index
        %get3A_58 = tpu.vector_load %arg4[%get3A_56, %get3A_57] {strides = array<i32>} : memref<16x2048xf32, #tpu.memory_space<vmem>>, vector<1x16xf32>,
        %get3A_59 = vector.shape_cast %get3A_58 : vector<1x16xf32> to vector<16xf32>
        %add3A_60 = arith.addf %add3A_54, %get3A_59 : vector<16xf32>
        %get3A_61 = arith.constant 5 : i32
        %get3A_62 = arith.index_cast %get3A_61 : i32 to index
        %get3A_63 = arith.index_cast %mul3A_32 : i32 to index
        %get3A_64 = tpu.vector_load %arg4[%get3A_62, %get3A_63] {strides = array<i32>} : memref<16x2048xf32, #tpu.memory_space<vmem>>, vector<1x16xf32>,
        %get3A_65 = vector.shape_cast %get3A_64 : vector<1x16xf32> to vector<16xf32>
        %add3A_66 = arith.addf %add3A_60, %get3A_65 : vector<16xf32>
        %get3A_67 = arith.constant 6 : i32
        %get3A_68 = arith.index_cast %get3A_67 : i32 to index
        %get3A_69 = arith.index_cast %mul3A_32 : i32 to index
        %get3A_70 = tpu.vector_load %arg4[%get3A_68, %get3A_69] {strides = array<i32>} : memref<16x2048xf32, #tpu.memory_space<vmem>>, vector<1x16xf32>,
        %get3A_71 = vector.shape_cast %get3A_70 : vector<1x16xf32> to vector<16xf32>
        %add3A_72 = arith.addf %add3A_66, %get3A_71 : vector<16xf32>
        %get3A_73 = arith.constant 7 : i32
        %get3A_74 = arith.index_cast %get3A_73 : i32 to index
        %get3A_75 = arith.index_cast %mul3A_32 : i32 to index
        %get3A_76 = tpu.vector_load %arg4[%get3A_74, %get3A_75] {strides = array<i32>} : memref<16x2048xf32, #tpu.memory_space<vmem>>, vector<1x16xf32>,
        %get3A_77 = vector.shape_cast %get3A_76 : vector<1x16xf32> to vector<16xf32>
        %add3A_78 = arith.addf %add3A_72, %get3A_77 : vector<16xf32>
        %get3A_79 = arith.constant 8 : i32
        %get3A_80 = arith.index_cast %get3A_79 : i32 to index
        %get3A_81 = arith.index_cast %mul3A_32 : i32 to index
        %get3A_82 = tpu.vector_load %arg4[%get3A_80, %get3A_81] {strides = array<i32>} : memref<16x2048xf32, #tpu.memory_space<vmem>>, vector<1x16xf32>,
        %get3A_83 = vector.shape_cast %get3A_82 : vector<1x16xf32> to vector<16xf32>
        %add3A_84 = arith.addf %add3A_78, %get3A_83 : vector<16xf32>
        %get3A_85 = arith.constant 9 : i32
        %get3A_86 = arith.index_cast %get3A_85 : i32 to index
        %get3A_87 = arith.index_cast %mul3A_32 : i32 to index
        %get3A_88 = tpu.vector_load %arg4[%get3A_86, %get3A_87] {strides = array<i32>} : memref<16x2048xf32, #tpu.memory_space<vmem>>, vector<1x16xf32>,
        %get3A_89 = vector.shape_cast %get3A_88 : vector<1x16xf32> to vector<16xf32>
        %add3A_90 = arith.addf %add3A_84, %get3A_89 : vector<16xf32>
        %get3A_91 = arith.constant 10 : i32
        %get3A_92 = arith.index_cast %get3A_91 : i32 to index
        %get3A_93 = arith.index_cast %mul3A_32 : i32 to index
        %get3A_94 = tpu.vector_load %arg4[%get3A_92, %get3A_93] {strides = array<i32>} : memref<16x2048xf32, #tpu.memory_space<vmem>>, vector<1x16xf32>,
        %get3A_95 = vector.shape_cast %get3A_94 : vector<1x16xf32> to vector<16xf32>
        %add3A_96 = arith.addf %add3A_90, %get3A_95 : vector<16xf32>
        %get3A_97 = arith.constant 11 : i32
        %get3A_98 = arith.index_cast %get3A_97 : i32 to index
        %get3A_99 = arith.index_cast %mul3A_32 : i32 to index
        %get3A_100 = tpu.vector_load %arg4[%get3A_98, %get3A_99] {strides = array<i32>} : memref<16x2048xf32, #tpu.memory_space<vmem>>, vector<1x16xf32>,
        %get3A_101 = vector.shape_cast %get3A_100 : vector<1x16xf32> to vector<16xf32>
        %add3A_102 = arith.addf %add3A_96, %get3A_101 : vector<16xf32>
        %get3A_103 = arith.constant 12 : i32
        %get3A_104 = arith.index_cast %get3A_103 : i32 to index
        %get3A_105 = arith.index_cast %mul3A_32 : i32 to index
        %get3A_106 = tpu.vector_load %arg4[%get3A_104, %get3A_105] {strides = array<i32>} : memref<16x2048xf32, #tpu.memory_space<vmem>>, vector<1x16xf32>,
        %get3A_107 = vector.shape_cast %get3A_106 : vector<1x16xf32> to vector<16xf32>
        %add3A_108 = arith.addf %add3A_102, %get3A_107 : vector<16xf32>
        %get3A_109 = arith.constant 13 : i32
        %get3A_110 = arith.index_cast %get3A_109 : i32 to index
        %get3A_111 = arith.index_cast %mul3A_32 : i32 to index
        %get3A_112 = tpu.vector_load %arg4[%get3A_110, %get3A_111] {strides = array<i32>} : memref<16x2048xf32, #tpu.memory_space<vmem>>, vector<1x16xf32>,
        %get3A_113 = vector.shape_cast %get3A_112 : vector<1x16xf32> to vector<16xf32>
        %add3A_114 = arith.addf %add3A_108, %get3A_113 : vector<16xf32>
        %get3A_115 = arith.constant 14 : i32
        %get3A_116 = arith.index_cast %get3A_115 : i32 to index
        %get3A_117 = arith.index_cast %mul3A_32 : i32 to index
        %get3A_118 = tpu.vector_load %arg4[%get3A_116, %get3A_117] {strides = array<i32>} : memref<16x2048xf32, #tpu.memory_space<vmem>>, vector<1x16xf32>,
        %get3A_119 = vector.shape_cast %get3A_118 : vector<1x16xf32> to vector<16xf32>
        %add3A_120 = arith.addf %add3A_114, %get3A_119 : vector<16xf32>
        %get3A_121 = arith.constant 15 : i32
        %get3A_122 = arith.index_cast %get3A_121 : i32 to index
        %get3A_123 = arith.index_cast %mul3A_32 : i32 to index
        %get3A_124 = tpu.vector_load %arg4[%get3A_122, %get3A_123] {strides = array<i32>} : memref<16x2048xf32, #tpu.memory_space<vmem>>, vector<1x16xf32>,
        %get3A_125 = vector.shape_cast %get3A_124 : vector<1x16xf32> to vector<16xf32>
        %add3A_126 = arith.addf %add3A_120, %get3A_125 : vector<16xf32>
        %abs3A = math.absf %add3A_126 : vector<16xf32>
        %gt3A = arith.constant 0.000000e+00 : f32
        %gt3A_127 = vector.broadcast %gt3A : f32 to vector<16xf32>
        %gt3A_128 = arith.cmpf ogt, %abs3A, %gt3A_127 : vector<16xf32>
        %jit3A = arith.constant 1.000000e+00 : f32
        %jit3A_129 = arith.constant 0.000000e+00 : f32
        %broadcast_in_dim3A = vector.broadcast %jit3A : f32 to vector<16xf32>
        %broadcast_in_dim3A_130 = vector.broadcast %jit3A_129 : f32 to vector<16xf32>
        %select_n3A = arith.select %gt3A_128, %broadcast_in_dim3A, %broadcast_in_dim3A_130 : vector<16xi1>, vector<16xf32>
        %swap3A = arith.index_cast %mul3A_32 : i32 to index
        %swap3A_131 = tpu.vector_load %arg5[%swap3A] {strides = array<i32>} : memref<2048xf32, #tpu.memory_space<vmem>>, vector<16xf32>,
        %swap3A_132 = vector.shape_cast %swap3A_131 : vector<16xf32> to vector<16xf32>
        %swap3A_133 = vector.shape_cast %select_n3A : vector<16xf32> to vector<16xf32>
        tpu.vector_store %arg5[%swap3A], %swap3A_133 {strides = array<i32>} : memref<2048xf32, #tpu.memory_space<vmem>>, vector<16xf32>,
        %scan3A_134 = arith.constant 1 : i32
        %scan3A_135 = arith.addi %scan3A_30, %scan3A_134 : i32
        %mul3A_136 = arith.constant 16 : i32
        %mul3A_137 = arith.muli %scan3A_135, %mul3A_136 : i32
        %get3A_138 = arith.constant 0 : i32
        %get3A_139 = arith.index_cast %get3A_138 : i32 to index
        %get3A_140 = arith.index_cast %mul3A_137 : i32 to index
        %get3A_141 = tpu.vector_load %arg4[%get3A_139, %get3A_140] {strides = array<i32>} : memref<16x2048xf32, #tpu.memory_space<vmem>>, vector<1x16xf32>,
        %get3A_142 = vector.shape_cast %get3A_141 : vector<1x16xf32> to vector<16xf32>
        %get3A_143 = arith.constant 1 : i32
        %get3A_144 = arith.index_cast %get3A_143 : i32 to index
        %get3A_145 = arith.index_cast %mul3A_137 : i32 to index
        %get3A_146 = tpu.vector_load %arg4[%get3A_144, %get3A_145] {strides = array<i32>} : memref<16x2048xf32, #tpu.memory_space<vmem>>, vector<1x16xf32>,
        %get3A_147 = vector.shape_cast %get3A_146 : vector<1x16xf32> to vector<16xf32>
        %add3A_148 = arith.addf %get3A_142, %get3A_147 : vector<16xf32>
        %get3A_149 = arith.constant 2 : i32
        %get3A_150 = arith.index_cast %get3A_149 : i32 to index
        %get3A_151 = arith.index_cast %mul3A_137 : i32 to index
        %get3A_152 = tpu.vector_load %arg4[%get3A_150, %get3A_151] {strides = array<i32>} : memref<16x2048xf32, #tpu.memory_space<vmem>>, vector<1x16xf32>,
        %get3A_153 = vector.shape_cast %get3A_152 : vector<1x16xf32> to vector<16xf32>
        %add3A_154 = arith.addf %add3A_148, %get3A_153 : vector<16xf32>
        %get3A_155 = arith.constant 3 : i32
        %get3A_156 = arith.index_cast %get3A_155 : i32 to index
        %get3A_157 = arith.index_cast %mul3A_137 : i32 to index
        %get3A_158 = tpu.vector_load %arg4[%get3A_156, %get3A_157] {strides = array<i32>} : memref<16x2048xf32, #tpu.memory_space<vmem>>, vector<1x16xf32>,
        %get3A_159 = vector.shape_cast %get3A_158 : vector<1x16xf32> to vector<16xf32>
        %add3A_160 = arith.addf %add3A_154, %get3A_159 : vector<16xf32>
        %get3A_161 = arith.constant 4 : i32
        %get3A_162 = arith.index_cast %get3A_161 : i32 to index
        %get3A_163 = arith.index_cast %mul3A_137 : i32 to index
        %get3A_164 = tpu.vector_load %arg4[%get3A_162, %get3A_163] {strides = array<i32>} : memref<16x2048xf32, #tpu.memory_space<vmem>>, vector<1x16xf32>,
        %get3A_165 = vector.shape_cast %get3A_164 : vector<1x16xf32> to vector<16xf32>
        %add3A_166 = arith.addf %add3A_160, %get3A_165 : vector<16xf32>
        %get3A_167 = arith.constant 5 : i32
        %get3A_168 = arith.index_cast %get3A_167 : i32 to index
        %get3A_169 = arith.index_cast %mul3A_137 : i32 to index
        %get3A_170 = tpu.vector_load %arg4[%get3A_168, %get3A_169] {strides = array<i32>} : memref<16x2048xf32, #tpu.memory_space<vmem>>, vector<1x16xf32>,
        %get3A_171 = vector.shape_cast %get3A_170 : vector<1x16xf32> to vector<16xf32>
        %add3A_172 = arith.addf %add3A_166, %get3A_171 : vector<16xf32>
        %get3A_173 = arith.constant 6 : i32
        %get3A_174 = arith.index_cast %get3A_173 : i32 to index
        %get3A_175 = arith.index_cast %mul3A_137 : i32 to index
        %get3A_176 = tpu.vector_load %arg4[%get3A_174, %get3A_175] {strides = array<i32>} : memref<16x2048xf32, #tpu.memory_space<vmem>>, vector<1x16xf32>,
        %get3A_177 = vector.shape_cast %get3A_176 : vector<1x16xf32> to vector<16xf32>
        %add3A_178 = arith.addf %add3A_172, %get3A_177 : vector<16xf32>
        %get3A_179 = arith.constant 7 : i32
        %get3A_180 = arith.index_cast %get3A_179 : i32 to index
        %get3A_181 = arith.index_cast %mul3A_137 : i32 to index
        %get3A_182 = tpu.vector_load %arg4[%get3A_180, %get3A_181] {strides = array<i32>} : memref<16x2048xf32, #tpu.memory_space<vmem>>, vector<1x16xf32>,
        %get3A_183 = vector.shape_cast %get3A_182 : vector<1x16xf32> to vector<16xf32>
        %add3A_184 = arith.addf %add3A_178, %get3A_183 : vector<16xf32>
        %get3A_185 = arith.constant 8 : i32
        %get3A_186 = arith.index_cast %get3A_185 : i32 to index
        %get3A_187 = arith.index_cast %mul3A_137 : i32 to index
        %get3A_188 = tpu.vector_load %arg4[%get3A_186, %get3A_187] {strides = array<i32>} : memref<16x2048xf32, #tpu.memory_space<vmem>>, vector<1x16xf32>,
        %get3A_189 = vector.shape_cast %get3A_188 : vector<1x16xf32> to vector<16xf32>
        %add3A_190 = arith.addf %add3A_184, %get3A_189 : vector<16xf32>
        %get3A_191 = arith.constant 9 : i32
        %get3A_192 = arith.index_cast %get3A_191 : i32 to index
        %get3A_193 = arith.index_cast %mul3A_137 : i32 to index
        %get3A_194 = tpu.vector_load %arg4[%get3A_192, %get3A_193] {strides = array<i32>} : memref<16x2048xf32, #tpu.memory_space<vmem>>, vector<1x16xf32>,
        %get3A_195 = vector.shape_cast %get3A_194 : vector<1x16xf32> to vector<16xf32>
        %add3A_196 = arith.addf %add3A_190, %get3A_195 : vector<16xf32>
        %get3A_197 = arith.constant 10 : i32
        %get3A_198 = arith.index_cast %get3A_197 : i32 to index
        %get3A_199 = arith.index_cast %mul3A_137 : i32 to index
        %get3A_200 = tpu.vector_load %arg4[%get3A_198, %get3A_199] {strides = array<i32>} : memref<16x2048xf32, #tpu.memory_space<vmem>>, vector<1x16xf32>,
        %get3A_201 = vector.shape_cast %get3A_200 : vector<1x16xf32> to vector<16xf32>
        %add3A_202 = arith.addf %add3A_196, %get3A_201 : vector<16xf32>
        %get3A_203 = arith.constant 11 : i32
        %get3A_204 = arith.index_cast %get3A_203 : i32 to index
        %get3A_205 = arith.index_cast %mul3A_137 : i32 to index
        %get3A_206 = tpu.vector_load %arg4[%get3A_204, %get3A_205] {strides = array<i32>} : memref<16x2048xf32, #tpu.memory_space<vmem>>, vector<1x16xf32>,
        %get3A_207 = vector.shape_cast %get3A_206 : vector<1x16xf32> to vector<16xf32>
        %add3A_208 = arith.addf %add3A_202, %get3A_207 : vector<16xf32>
        %get3A_209 = arith.constant 12 : i32
        %get3A_210 = arith.index_cast %get3A_209 : i32 to index
        %get3A_211 = arith.index_cast %mul3A_137 : i32 to index
        %get3A_212 = tpu.vector_load %arg4[%get3A_210, %get3A_211] {strides = array<i32>} : memref<16x2048xf32, #tpu.memory_space<vmem>>, vector<1x16xf32>,
        %get3A_213 = vector.shape_cast %get3A_212 : vector<1x16xf32> to vector<16xf32>
        %add3A_214 = arith.addf %add3A_208, %get3A_213 : vector<16xf32>
        %get3A_215 = arith.constant 13 : i32
        %get3A_216 = arith.index_cast %get3A_215 : i32 to index
        %get3A_217 = arith.index_cast %mul3A_137 : i32 to index
        %get3A_218 = tpu.vector_load %arg4[%get3A_216, %get3A_217] {strides = array<i32>} : memref<16x2048xf32, #tpu.memory_space<vmem>>, vector<1x16xf32>,
        %get3A_219 = vector.shape_cast %get3A_218 : vector<1x16xf32> to vector<16xf32>
        %add3A_220 = arith.addf %add3A_214, %get3A_219 : vector<16xf32>
        %get3A_221 = arith.constant 14 : i32
        %get3A_222 = arith.index_cast %get3A_221 : i32 to index
        %get3A_223 = arith.index_cast %mul3A_137 : i32 to index
        %get3A_224 = tpu.vector_load %arg4[%get3A_222, %get3A_223] {strides = array<i32>} : memref<16x2048xf32, #tpu.memory_space<vmem>>, vector<1x16xf32>,
        %get3A_225 = vector.shape_cast %get3A_224 : vector<1x16xf32> to vector<16xf32>
        %add3A_226 = arith.addf %add3A_220, %get3A_225 : vector<16xf32>
        %get3A_227 = arith.constant 15 : i32
        %get3A_228 = arith.index_cast %get3A_227 : i32 to index
        %get3A_229 = arith.index_cast %mul3A_137 : i32 to index
        %get3A_230 = tpu.vector_load %arg4[%get3A_228, %get3A_229] {strides = array<i32>} : memref<16x2048xf32, #tpu.memory_space<vmem>>, vector<1x16xf32>,
        %get3A_231 = vector.shape_cast %get3A_230 : vector<1x16xf32> to vector<16xf32>
        %add3A_232 = arith.addf %add3A_226, %get3A_231 : vector<16xf32>
        %abs3A_233 = math.absf %add3A_232 : vector<16xf32>
        %gt3A_234 = arith.constant 0.000000e+00 : f32
        %gt3A_235 = vector.broadcast %gt3A_234 : f32 to vector<16xf32>
        %gt3A_236 = arith.cmpf ogt, %abs3A_233, %gt3A_235 : vector<16xf32>
        %jit3A_237 = arith.constant 1.000000e+00 : f32
        %jit3A_238 = arith.constant 0.000000e+00 : f32
        %broadcast_in_dim3A_239 = vector.broadcast %jit3A_237 : f32 to vector<16xf32>
        %broadcast_in_dim3A_240 = vector.broadcast %jit3A_238 : f32 to vector<16xf32>
        %select_n3A_241 = arith.select %gt3A_236, %broadcast_in_dim3A_239, %broadcast_in_dim3A_240 : vector<16xi1>, vector<16xf32>
        %swap3A_242 = arith.index_cast %mul3A_137 : i32 to index
        %swap3A_243 = tpu.vector_load %arg5[%swap3A_242] {strides = array<i32>} : memref<2048xf32, #tpu.memory_space<vmem>>, vector<16xf32>,
        %swap3A_244 = vector.shape_cast %swap3A_243 : vector<16xf32> to vector<16xf32>
        %swap3A_245 = vector.shape_cast %select_n3A_241 : vector<16xf32> to vector<16xf32>
        tpu.vector_store %arg5[%swap3A_242], %swap3A_245 {strides = array<i32>} : memref<2048xf32, #tpu.memory_space<vmem>>, vector<16xf32>,
        %scan3A_246 = arith.constant 2 : i32
        %scan3A_247 = arith.addi %scan3A_30, %scan3A_246 : i32
        %mul3A_248 = arith.constant 16 : i32
        %mul3A_249 = arith.muli %scan3A_247, %mul3A_248 : i32
        %get3A_250 = arith.constant 0 : i32
        %get3A_251 = arith.index_cast %get3A_250 : i32 to index
        %get3A_252 = arith.index_cast %mul3A_249 : i32 to index
        %get3A_253 = tpu.vector_load %arg4[%get3A_251, %get3A_252] {strides = array<i32>} : memref<16x2048xf32, #tpu.memory_space<vmem>>, vector<1x16xf32>,
        %get3A_254 = vector.shape_cast %get3A_253 : vector<1x16xf32> to vector<16xf32>
        %get3A_255 = arith.constant 1 : i32
        %get3A_256 = arith.index_cast %get3A_255 : i32 to index
        %get3A_257 = arith.index_cast %mul3A_249 : i32 to index
        %get3A_258 = tpu.vector_load %arg4[%get3A_256, %get3A_257] {strides = array<i32>} : memref<16x2048xf32, #tpu.memory_space<vmem>>, vector<1x16xf32>,
        %get3A_259 = vector.shape_cast %get3A_258 : vector<1x16xf32> to vector<16xf32>
        %add3A_260 = arith.addf %get3A_254, %get3A_259 : vector<16xf32>
        %get3A_261 = arith.constant 2 : i32
        %get3A_262 = arith.index_cast %get3A_261 : i32 to index
        %get3A_263 = arith.index_cast %mul3A_249 : i32 to index
        %get3A_264 = tpu.vector_load %arg4[%get3A_262, %get3A_263] {strides = array<i32>} : memref<16x2048xf32, #tpu.memory_space<vmem>>, vector<1x16xf32>,
        %get3A_265 = vector.shape_cast %get3A_264 : vector<1x16xf32> to vector<16xf32>
        %add3A_266 = arith.addf %add3A_260, %get3A_265 : vector<16xf32>
        %get3A_267 = arith.constant 3 : i32
        %get3A_268 = arith.index_cast %get3A_267 : i32 to index
        %get3A_269 = arith.index_cast %mul3A_249 : i32 to index
        %get3A_270 = tpu.vector_load %arg4[%get3A_268, %get3A_269] {strides = array<i32>} : memref<16x2048xf32, #tpu.memory_space<vmem>>, vector<1x16xf32>,
        %get3A_271 = vector.shape_cast %get3A_270 : vector<1x16xf32> to vector<16xf32>
        %add3A_272 = arith.addf %add3A_266, %get3A_271 : vector<16xf32>
        %get3A_273 = arith.constant 4 : i32
        %get3A_274 = arith.index_cast %get3A_273 : i32 to index
        %get3A_275 = arith.index_cast %mul3A_249 : i32 to index
        %get3A_276 = tpu.vector_load %arg4[%get3A_274, %get3A_275] {strides = array<i32>} : memref<16x2048xf32, #tpu.memory_space<vmem>>, vector<1x16xf32>,
        %get3A_277 = vector.shape_cast %get3A_276 : vector<1x16xf32> to vector<16xf32>
        %add3A_278 = arith.addf %add3A_272, %get3A_277 : vector<16xf32>
        %get3A_279 = arith.constant 5 : i32
        %get3A_280 = arith.index_cast %get3A_279 : i32 to index
        %get3A_281 = arith.index_cast %mul3A_249 : i32 to index
        %get3A_282 = tpu.vector_load %arg4[%get3A_280, %get3A_281] {strides = array<i32>} : memref<16x2048xf32, #tpu.memory_space<vmem>>, vector<1x16xf32>,
        %get3A_283 = vector.shape_cast %get3A_282 : vector<1x16xf32> to vector<16xf32>
        %add3A_284 = arith.addf %add3A_278, %get3A_283 : vector<16xf32>
        %get3A_285 = arith.constant 6 : i32
        %get3A_286 = arith.index_cast %get3A_285 : i32 to index
        %get3A_287 = arith.index_cast %mul3A_249 : i32 to index
        %get3A_288 = tpu.vector_load %arg4[%get3A_286, %get3A_287] {strides = array<i32>} : memref<16x2048xf32, #tpu.memory_space<vmem>>, vector<1x16xf32>,
        %get3A_289 = vector.shape_cast %get3A_288 : vector<1x16xf32> to vector<16xf32>
        %add3A_290 = arith.addf %add3A_284, %get3A_289 : vector<16xf32>
        %get3A_291 = arith.constant 7 : i32
        %get3A_292 = arith.index_cast %get3A_291 : i32 to index
        %get3A_293 = arith.index_cast %mul3A_249 : i32 to index
        %get3A_294 = tpu.vector_load %arg4[%get3A_292, %get3A_293] {strides = array<i32>} : memref<16x2048xf32, #tpu.memory_space<vmem>>, vector<1x16xf32>,
        %get3A_295 = vector.shape_cast %get3A_294 : vector<1x16xf32> to vector<16xf32>
        %add3A_296 = arith.addf %add3A_290, %get3A_295 : vector<16xf32>
        %get3A_297 = arith.constant 8 : i32
        %get3A_298 = arith.index_cast %get3A_297 : i32 to index
        %get3A_299 = arith.index_cast %mul3A_249 : i32 to index
        %get3A_300 = tpu.vector_load %arg4[%get3A_298, %get3A_299] {strides = array<i32>} : memref<16x2048xf32, #tpu.memory_space<vmem>>, vector<1x16xf32>,
        %get3A_301 = vector.shape_cast %get3A_300 : vector<1x16xf32> to vector<16xf32>
        %add3A_302 = arith.addf %add3A_296, %get3A_301 : vector<16xf32>
        %get3A_303 = arith.constant 9 : i32
        %get3A_304 = arith.index_cast %get3A_303 : i32 to index
        %get3A_305 = arith.index_cast %mul3A_249 : i32 to index
        %get3A_306 = tpu.vector_load %arg4[%get3A_304, %get3A_305] {strides = array<i32>} : memref<16x2048xf32, #tpu.memory_space<vmem>>, vector<1x16xf32>,
        %get3A_307 = vector.shape_cast %get3A_306 : vector<1x16xf32> to vector<16xf32>
        %add3A_308 = arith.addf %add3A_302, %get3A_307 : vector<16xf32>
        %get3A_309 = arith.constant 10 : i32
        %get3A_310 = arith.index_cast %get3A_309 : i32 to index
        %get3A_311 = arith.index_cast %mul3A_249 : i32 to index
        %get3A_312 = tpu.vector_load %arg4[%get3A_310, %get3A_311] {strides = array<i32>} : memref<16x2048xf32, #tpu.memory_space<vmem>>, vector<1x16xf32>,
        %get3A_313 = vector.shape_cast %get3A_312 : vector<1x16xf32> to vector<16xf32>
        %add3A_314 = arith.addf %add3A_308, %get3A_313 : vector<16xf32>
        %get3A_315 = arith.constant 11 : i32
        %get3A_316 = arith.index_cast %get3A_315 : i32 to index
        %get3A_317 = arith.index_cast %mul3A_249 : i32 to index
        %get3A_318 = tpu.vector_load %arg4[%get3A_316, %get3A_317] {strides = array<i32>} : memref<16x2048xf32, #tpu.memory_space<vmem>>, vector<1x16xf32>,
        %get3A_319 = vector.shape_cast %get3A_318 : vector<1x16xf32> to vector<16xf32>
        %add3A_320 = arith.addf %add3A_314, %get3A_319 : vector<16xf32>
        %get3A_321 = arith.constant 12 : i32
        %get3A_322 = arith.index_cast %get3A_321 : i32 to index
        %get3A_323 = arith.index_cast %mul3A_249 : i32 to index
        %get3A_324 = tpu.vector_load %arg4[%get3A_322, %get3A_323] {strides = array<i32>} : memref<16x2048xf32, #tpu.memory_space<vmem>>, vector<1x16xf32>,
        %get3A_325 = vector.shape_cast %get3A_324 : vector<1x16xf32> to vector<16xf32>
        %add3A_326 = arith.addf %add3A_320, %get3A_325 : vector<16xf32>
        %get3A_327 = arith.constant 13 : i32
        %get3A_328 = arith.index_cast %get3A_327 : i32 to index
        %get3A_329 = arith.index_cast %mul3A_249 : i32 to index
        %get3A_330 = tpu.vector_load %arg4[%get3A_328, %get3A_329] {strides = array<i32>} : memref<16x2048xf32, #tpu.memory_space<vmem>>, vector<1x16xf32>,
        %get3A_331 = vector.shape_cast %get3A_330 : vector<1x16xf32> to vector<16xf32>
        %add3A_332 = arith.addf %add3A_326, %get3A_331 : vector<16xf32>
        %get3A_333 = arith.constant 14 : i32
        %get3A_334 = arith.index_cast %get3A_333 : i32 to index
        %get3A_335 = arith.index_cast %mul3A_249 : i32 to index
        %get3A_336 = tpu.vector_load %arg4[%get3A_334, %get3A_335] {strides = array<i32>} : memref<16x2048xf32, #tpu.memory_space<vmem>>, vector<1x16xf32>,
        %get3A_337 = vector.shape_cast %get3A_336 : vector<1x16xf32> to vector<16xf32>
        %add3A_338 = arith.addf %add3A_332, %get3A_337 : vector<16xf32>
        %get3A_339 = arith.constant 15 : i32
        %get3A_340 = arith.index_cast %get3A_339 : i32 to index
        %get3A_341 = arith.index_cast %mul3A_249 : i32 to index
        %get3A_342 = tpu.vector_load %arg4[%get3A_340, %get3A_341] {strides = array<i32>} : memref<16x2048xf32, #tpu.memory_space<vmem>>, vector<1x16xf32>,
        %get3A_343 = vector.shape_cast %get3A_342 : vector<1x16xf32> to vector<16xf32>
        %add3A_344 = arith.addf %add3A_338, %get3A_343 : vector<16xf32>
        %abs3A_345 = math.absf %add3A_344 : vector<16xf32>
        %gt3A_346 = arith.constant 0.000000e+00 : f32
        %gt3A_347 = vector.broadcast %gt3A_346 : f32 to vector<16xf32>
        %gt3A_348 = arith.cmpf ogt, %abs3A_345, %gt3A_347 : vector<16xf32>
        %jit3A_349 = arith.constant 1.000000e+00 : f32
        %jit3A_350 = arith.constant 0.000000e+00 : f32
        %broadcast_in_dim3A_351 = vector.broadcast %jit3A_349 : f32 to vector<16xf32>
        %broadcast_in_dim3A_352 = vector.broadcast %jit3A_350 : f32 to vector<16xf32>
        %select_n3A_353 = arith.select %gt3A_348, %broadcast_in_dim3A_351, %broadcast_in_dim3A_352 : vector<16xi1>, vector<16xf32>
        %swap3A_354 = arith.index_cast %mul3A_249 : i32 to index
        %swap3A_355 = tpu.vector_load %arg5[%swap3A_354] {strides = array<i32>} : memref<2048xf32, #tpu.memory_space<vmem>>, vector<16xf32>,
        %swap3A_356 = vector.shape_cast %swap3A_355 : vector<16xf32> to vector<16xf32>
        %swap3A_357 = vector.shape_cast %select_n3A_353 : vector<16xf32> to vector<16xf32>
        tpu.vector_store %arg5[%swap3A_354], %swap3A_357 {strides = array<i32>} : memref<2048xf32, #tpu.memory_space<vmem>>, vector<16xf32>,
        %scan3A_358 = arith.constant 3 : i32
        %scan3A_359 = arith.addi %scan3A_30, %scan3A_358 : i32
        %mul3A_360 = arith.constant 16 : i32
        %mul3A_361 = arith.muli %scan3A_359, %mul3A_360 : i32
        %get3A_362 = arith.constant 0 : i32
        %get3A_363 = arith.index_cast %get3A_362 : i32 to index
        %get3A_364 = arith.index_cast %mul3A_361 : i32 to index
        %get3A_365 = tpu.vector_load %arg4[%get3A_363, %get3A_364] {strides = array<i32>} : memref<16x2048xf32, #tpu.memory_space<vmem>>, vector<1x16xf32>,
        %get3A_366 = vector.shape_cast %get3A_365 : vector<1x16xf32> to vector<16xf32>
        %get3A_367 = arith.constant 1 : i32
        %get3A_368 = arith.index_cast %get3A_367 : i32 to index
        %get3A_369 = arith.index_cast %mul3A_361 : i32 to index
        %get3A_370 = tpu.vector_load %arg4[%get3A_368, %get3A_369] {strides = array<i32>} : memref<16x2048xf32, #tpu.memory_space<vmem>>, vector<1x16xf32>,
        %get3A_371 = vector.shape_cast %get3A_370 : vector<1x16xf32> to vector<16xf32>
        %add3A_372 = arith.addf %get3A_366, %get3A_371 : vector<16xf32>
        %get3A_373 = arith.constant 2 : i32
        %get3A_374 = arith.index_cast %get3A_373 : i32 to index
        %get3A_375 = arith.index_cast %mul3A_361 : i32 to index
        %get3A_376 = tpu.vector_load %arg4[%get3A_374, %get3A_375] {strides = array<i32>} : memref<16x2048xf32, #tpu.memory_space<vmem>>, vector<1x16xf32>,
        %get3A_377 = vector.shape_cast %get3A_376 : vector<1x16xf32> to vector<16xf32>
        %add3A_378 = arith.addf %add3A_372, %get3A_377 : vector<16xf32>
        %get3A_379 = arith.constant 3 : i32
        %get3A_380 = arith.index_cast %get3A_379 : i32 to index
        %get3A_381 = arith.index_cast %mul3A_361 : i32 to index
        %get3A_382 = tpu.vector_load %arg4[%get3A_380, %get3A_381] {strides = array<i32>} : memref<16x2048xf32, #tpu.memory_space<vmem>>, vector<1x16xf32>,
        %get3A_383 = vector.shape_cast %get3A_382 : vector<1x16xf32> to vector<16xf32>
        %add3A_384 = arith.addf %add3A_378, %get3A_383 : vector<16xf32>
        %get3A_385 = arith.constant 4 : i32
        %get3A_386 = arith.index_cast %get3A_385 : i32 to index
        %get3A_387 = arith.index_cast %mul3A_361 : i32 to index
        %get3A_388 = tpu.vector_load %arg4[%get3A_386, %get3A_387] {strides = array<i32>} : memref<16x2048xf32, #tpu.memory_space<vmem>>, vector<1x16xf32>,
        %get3A_389 = vector.shape_cast %get3A_388 : vector<1x16xf32> to vector<16xf32>
        %add3A_390 = arith.addf %add3A_384, %get3A_389 : vector<16xf32>
        %get3A_391 = arith.constant 5 : i32
        %get3A_392 = arith.index_cast %get3A_391 : i32 to index
        %get3A_393 = arith.index_cast %mul3A_361 : i32 to index
        %get3A_394 = tpu.vector_load %arg4[%get3A_392, %get3A_393] {strides = array<i32>} : memref<16x2048xf32, #tpu.memory_space<vmem>>, vector<1x16xf32>,
        %get3A_395 = vector.shape_cast %get3A_394 : vector<1x16xf32> to vector<16xf32>
        %add3A_396 = arith.addf %add3A_390, %get3A_395 : vector<16xf32>
        %get3A_397 = arith.constant 6 : i32
        %get3A_398 = arith.index_cast %get3A_397 : i32 to index
        %get3A_399 = arith.index_cast %mul3A_361 : i32 to index
        %get3A_400 = tpu.vector_load %arg4[%get3A_398, %get3A_399] {strides = array<i32>} : memref<16x2048xf32, #tpu.memory_space<vmem>>, vector<1x16xf32>,
        %get3A_401 = vector.shape_cast %get3A_400 : vector<1x16xf32> to vector<16xf32>
        %add3A_402 = arith.addf %add3A_396, %get3A_401 : vector<16xf32>
        %get3A_403 = arith.constant 7 : i32
        %get3A_404 = arith.index_cast %get3A_403 : i32 to index
        %get3A_405 = arith.index_cast %mul3A_361 : i32 to index
        %get3A_406 = tpu.vector_load %arg4[%get3A_404, %get3A_405] {strides = array<i32>} : memref<16x2048xf32, #tpu.memory_space<vmem>>, vector<1x16xf32>,
        %get3A_407 = vector.shape_cast %get3A_406 : vector<1x16xf32> to vector<16xf32>
        %add3A_408 = arith.addf %add3A_402, %get3A_407 : vector<16xf32>
        %get3A_409 = arith.constant 8 : i32
        %get3A_410 = arith.index_cast %get3A_409 : i32 to index
        %get3A_411 = arith.index_cast %mul3A_361 : i32 to index
        %get3A_412 = tpu.vector_load %arg4[%get3A_410, %get3A_411] {strides = array<i32>} : memref<16x2048xf32, #tpu.memory_space<vmem>>, vector<1x16xf32>,
        %get3A_413 = vector.shape_cast %get3A_412 : vector<1x16xf32> to vector<16xf32>
        %add3A_414 = arith.addf %add3A_408, %get3A_413 : vector<16xf32>
        %get3A_415 = arith.constant 9 : i32
        %get3A_416 = arith.index_cast %get3A_415 : i32 to index
        %get3A_417 = arith.index_cast %mul3A_361 : i32 to index
        %get3A_418 = tpu.vector_load %arg4[%get3A_416, %get3A_417] {strides = array<i32>} : memref<16x2048xf32, #tpu.memory_space<vmem>>, vector<1x16xf32>,
        %get3A_419 = vector.shape_cast %get3A_418 : vector<1x16xf32> to vector<16xf32>
        %add3A_420 = arith.addf %add3A_414, %get3A_419 : vector<16xf32>
        %get3A_421 = arith.constant 10 : i32
        %get3A_422 = arith.index_cast %get3A_421 : i32 to index
        %get3A_423 = arith.index_cast %mul3A_361 : i32 to index
        %get3A_424 = tpu.vector_load %arg4[%get3A_422, %get3A_423] {strides = array<i32>} : memref<16x2048xf32, #tpu.memory_space<vmem>>, vector<1x16xf32>,
        %get3A_425 = vector.shape_cast %get3A_424 : vector<1x16xf32> to vector<16xf32>
        %add3A_426 = arith.addf %add3A_420, %get3A_425 : vector<16xf32>
        %get3A_427 = arith.constant 11 : i32
        %get3A_428 = arith.index_cast %get3A_427 : i32 to index
        %get3A_429 = arith.index_cast %mul3A_361 : i32 to index
        %get3A_430 = tpu.vector_load %arg4[%get3A_428, %get3A_429] {strides = array<i32>} : memref<16x2048xf32, #tpu.memory_space<vmem>>, vector<1x16xf32>,
        %get3A_431 = vector.shape_cast %get3A_430 : vector<1x16xf32> to vector<16xf32>
        %add3A_432 = arith.addf %add3A_426, %get3A_431 : vector<16xf32>
        %get3A_433 = arith.constant 12 : i32
        %get3A_434 = arith.index_cast %get3A_433 : i32 to index
        %get3A_435 = arith.index_cast %mul3A_361 : i32 to index
        %get3A_436 = tpu.vector_load %arg4[%get3A_434, %get3A_435] {strides = array<i32>} : memref<16x2048xf32, #tpu.memory_space<vmem>>, vector<1x16xf32>,
        %get3A_437 = vector.shape_cast %get3A_436 : vector<1x16xf32> to vector<16xf32>
        %add3A_438 = arith.addf %add3A_432, %get3A_437 : vector<16xf32>
        %get3A_439 = arith.constant 13 : i32
        %get3A_440 = arith.index_cast %get3A_439 : i32 to index
        %get3A_441 = arith.index_cast %mul3A_361 : i32 to index
        %get3A_442 = tpu.vector_load %arg4[%get3A_440, %get3A_441] {strides = array<i32>} : memref<16x2048xf32, #tpu.memory_space<vmem>>, vector<1x16xf32>,
        %get3A_443 = vector.shape_cast %get3A_442 : vector<1x16xf32> to vector<16xf32>
        %add3A_444 = arith.addf %add3A_438, %get3A_443 : vector<16xf32>
        %get3A_445 = arith.constant 14 : i32
        %get3A_446 = arith.index_cast %get3A_445 : i32 to index
        %get3A_447 = arith.index_cast %mul3A_361 : i32 to index
        %get3A_448 = tpu.vector_load %arg4[%get3A_446, %get3A_447] {strides = array<i32>} : memref<16x2048xf32, #tpu.memory_space<vmem>>, vector<1x16xf32>,
        %get3A_449 = vector.shape_cast %get3A_448 : vector<1x16xf32> to vector<16xf32>
        %add3A_450 = arith.addf %add3A_444, %get3A_449 : vector<16xf32>
        %get3A_451 = arith.constant 15 : i32
        %get3A_452 = arith.index_cast %get3A_451 : i32 to index
        %get3A_453 = arith.index_cast %mul3A_361 : i32 to index
        %get3A_454 = tpu.vector_load %arg4[%get3A_452, %get3A_453] {strides = array<i32>} : memref<16x2048xf32, #tpu.memory_space<vmem>>, vector<1x16xf32>,
        %get3A_455 = vector.shape_cast %get3A_454 : vector<1x16xf32> to vector<16xf32>
        %add3A_456 = arith.addf %add3A_450, %get3A_455 : vector<16xf32>
        %abs3A_457 = math.absf %add3A_456 : vector<16xf32>
        %gt3A_458 = arith.constant 0.000000e+00 : f32
        %gt3A_459 = vector.broadcast %gt3A_458 : f32 to vector<16xf32>
        %gt3A_460 = arith.cmpf ogt, %abs3A_457, %gt3A_459 : vector<16xf32>
        %jit3A_461 = arith.constant 1.000000e+00 : f32
        %jit3A_462 = arith.constant 0.000000e+00 : f32
        %broadcast_in_dim3A_463 = vector.broadcast %jit3A_461 : f32 to vector<16xf32>
        %broadcast_in_dim3A_464 = vector.broadcast %jit3A_462 : f32 to vector<16xf32>
        %select_n3A_465 = arith.select %gt3A_460, %broadcast_in_dim3A_463, %broadcast_in_dim3A_464 : vector<16xi1>, vector<16xf32>
        %swap3A_466 = arith.index_cast %mul3A_361 : i32 to index
        %swap3A_467 = tpu.vector_load %arg5[%swap3A_466] {strides = array<i32>} : memref<2048xf32, #tpu.memory_space<vmem>>, vector<16xf32>,
        %swap3A_468 = vector.shape_cast %swap3A_467 : vector<16xf32> to vector<16xf32>
        %swap3A_469 = vector.shape_cast %select_n3A_465 : vector<16xf32> to vector<16xf32>
        tpu.vector_store %arg5[%swap3A_466], %swap3A_469 {strides = array<i32>} : memref<2048xf32, #tpu.memory_space<vmem>>, vector<16xf32>,
      }
      %scan3A_26 = arith.constant 128 : i32
      %mul3A_27 = arith.constant 32 : i32
      %mul3A_28 = arith.muli %scan3A_6, %mul3A_27 : i32
      %add3A_29 = arith.addi %mul3A_28, %add3A : i32
      "tpu.region"() ({
        %run_scoped3A = tpu.sem_alloc : memref<!tpu.dma_semaphore, #tpu.memory_space<semaphore_mem>>
        %dma_start3A_30 = arith.constant 0 : i32
        %dma_start3A_31 = tpu.memref_slice %arg3[%add3A_29, %dma_start3A_30] : memref<256x2048xf32, #tpu.memory_space<hbm>> -> memref<1x2048xf32, #tpu.memory_space<hbm>>
        %dma_start3A_32 = tpu.memref_squeeze %dma_start3A_31 : memref<1x2048xf32, #tpu.memory_space<hbm>> -> memref<2048xf32, #tpu.memory_space<hbm>>
        %dma_start3A_33 = arith.constant 0 : i32
        %dma_start3A_34 = tpu.memref_slice %arg3[%add3A_29, %dma_start3A_33] : memref<256x2048xf32, #tpu.memory_space<hbm>> -> memref<1x2048xf32, #tpu.memory_space<hbm>>
        %dma_start3A_35 = tpu.memref_squeeze %dma_start3A_34 : memref<1x2048xf32, #tpu.memory_space<hbm>> -> memref<2048xf32, #tpu.memory_space<hbm>>
        tpu.enqueue_dma source(%arg5 : memref<2048xf32, #tpu.memory_space<vmem>>) target(%dma_start3A_35 : memref<2048xf32, #tpu.memory_space<hbm>>) target_semaphore(%run_scoped3A : memref<!tpu.dma_semaphore, #tpu.memory_space<semaphore_mem>>)
        %dma_wait3A_36 = arith.constant 0 : i32
        %dma_wait3A_37 = tpu.memref_slice %arg3[%add3A_29, %dma_wait3A_36] : memref<256x2048xf32, #tpu.memory_space<hbm>> -> memref<1x2048xf32, #tpu.memory_space<hbm>>
        %dma_wait3A_38 = tpu.memref_squeeze %dma_wait3A_37 : memref<1x2048xf32, #tpu.memory_space<hbm>> -> memref<2048xf32, #tpu.memory_space<hbm>>
        %dma_wait3A_39 = arith.constant 0 : i32
        %dma_wait3A_40 = tpu.memref_slice %arg3[%add3A_29, %dma_wait3A_39] : memref<256x2048xf32, #tpu.memory_space<hbm>> -> memref<1x2048xf32, #tpu.memory_space<hbm>>
        %dma_wait3A_41 = tpu.memref_squeeze %dma_wait3A_40 : memref<1x2048xf32, #tpu.memory_space<hbm>> -> memref<2048xf32, #tpu.memory_space<hbm>>
        tpu.wait_dma2 semaphore(%run_scoped3A : memref<!tpu.dma_semaphore, #tpu.memory_space<semaphore_mem>>) src(%arg5 : memref<2048xf32, #tpu.memory_space<vmem>>) dst(%dma_wait3A_41 : memref<2048xf32, #tpu.memory_space<hbm>>)
        tpu.yield
      }) : () -> ()
    }
    %scan3A_5 = arith.constant 8 : i32
    return
  }
}

module attributes {stable_mosaic.version = 14 : i64} {
  func.func @_comb_body(%arg0: i32, %arg1: memref<1x256x256xf32, #tpu.memory_space<vmem>>, %arg2: memref<1x256x256xf32, #tpu.memory_space<vmem>>, %arg3: memref<1x256x256xf32, #tpu.memory_space<vmem>>, %arg4: memref<1x1x128xf32, #tpu.memory_space<vmem>>) attributes {dimension_semantics = [#tpu.dimension_semantics<arbitrary>], iteration_bounds = array<i64: 8>, scalar_prefetch = 0 : i64, scratch_operands = 0 : i64, tpu.core_type = #tpu.core_type<tc>, window_params = [{transform_indices = @transform_0, window_bounds = array<i64: 1, 256, 256>}, {transform_indices = @transform_1, window_bounds = array<i64: 1, 256, 256>}, {transform_indices = @transform_2, window_bounds = array<i64: 1, 256, 256>}, {transform_indices = @transform_3, window_bounds = array<i64: 1, 1, 128>}]} {
    %get3A = arith.constant 0 : index
    %get3A_0 = arith.constant 0 : index
    %get3A_1 = arith.constant 0 : index
    %get3A_2 = vector.load %arg1[%get3A, %get3A_0, %get3A_1] : memref<1x256x256xf32, #tpu.memory_space<vmem>>, vector<1x256x256xf32>
    %get3A_3 = vector.shape_cast %get3A_2 : vector<1x256x256xf32> to vector<256x256xf32>
    %get3A_4 = arith.constant 0 : index
    %get3A_5 = arith.constant 0 : index
    %get3A_6 = arith.constant 0 : index
    %get3A_7 = vector.load %arg2[%get3A_4, %get3A_5, %get3A_6] : memref<1x256x256xf32, #tpu.memory_space<vmem>>, vector<1x256x256xf32>
    %get3A_8 = vector.shape_cast %get3A_7 : vector<1x256x256xf32> to vector<256x256xf32>
    %get3A_9 = arith.constant 0 : index
    %get3A_10 = arith.constant 0 : index
    %get3A_11 = arith.constant 0 : index
    %get3A_12 = vector.load %arg3[%get3A_9, %get3A_10, %get3A_11] : memref<1x256x256xf32, #tpu.memory_space<vmem>>, vector<1x256x256xf32>
    %get3A_13 = vector.shape_cast %get3A_12 : vector<1x256x256xf32> to vector<256x256xf32>
    %mul3A = arith.mulf %get3A_3, %get3A_8 : vector<256x256xf32>
    %mul3A_14 = arith.mulf %get3A_3, %get3A_13 : vector<256x256xf32>
    %max3A = arith.maximumf %get3A_8, %mul3A_14 : vector<256x256xf32>
    %broadcast_in_dim3A = arith.constant 0.000000e+00 : f32
    %broadcast_in_dim3A_15 = vector.broadcast %broadcast_in_dim3A : f32 to vector<8x128xf32>
    %broadcast_in_dim3A_16 = arith.constant 0.000000e+00 : f32
    %broadcast_in_dim3A_17 = vector.broadcast %broadcast_in_dim3A_16 : f32 to vector<8x128xf32>
    %slice3A = vector.extract_strided_slice %mul3A {offsets = [0, 0], sizes = [8, 128], strides = [1, 1]} : vector<256x256xf32> to vector<8x128xf32>
    %add3A = arith.addf %broadcast_in_dim3A_15, %slice3A : vector<8x128xf32>
    %slice3A_18 = vector.extract_strided_slice %max3A {offsets = [0, 0], sizes = [8, 128], strides = [1, 1]} : vector<256x256xf32> to vector<8x128xf32>
    %add3A_19 = arith.addf %broadcast_in_dim3A_17, %slice3A_18 : vector<8x128xf32>
    %slice3A_20 = vector.extract_strided_slice %mul3A {offsets = [0, 128], sizes = [8, 128], strides = [1, 1]} : vector<256x256xf32> to vector<8x128xf32>
    %add3A_21 = arith.addf %add3A, %slice3A_20 : vector<8x128xf32>
    %slice3A_22 = vector.extract_strided_slice %max3A {offsets = [0, 128], sizes = [8, 128], strides = [1, 1]} : vector<256x256xf32> to vector<8x128xf32>
    %add3A_23 = arith.addf %add3A_19, %slice3A_22 : vector<8x128xf32>
    %slice3A_24 = vector.extract_strided_slice %mul3A {offsets = [8, 0], sizes = [8, 128], strides = [1, 1]} : vector<256x256xf32> to vector<8x128xf32>
    %add3A_25 = arith.addf %add3A_21, %slice3A_24 : vector<8x128xf32>
    %slice3A_26 = vector.extract_strided_slice %max3A {offsets = [8, 0], sizes = [8, 128], strides = [1, 1]} : vector<256x256xf32> to vector<8x128xf32>
    %add3A_27 = arith.addf %add3A_23, %slice3A_26 : vector<8x128xf32>
    %slice3A_28 = vector.extract_strided_slice %mul3A {offsets = [8, 128], sizes = [8, 128], strides = [1, 1]} : vector<256x256xf32> to vector<8x128xf32>
    %add3A_29 = arith.addf %add3A_25, %slice3A_28 : vector<8x128xf32>
    %slice3A_30 = vector.extract_strided_slice %max3A {offsets = [8, 128], sizes = [8, 128], strides = [1, 1]} : vector<256x256xf32> to vector<8x128xf32>
    %add3A_31 = arith.addf %add3A_27, %slice3A_30 : vector<8x128xf32>
    %slice3A_32 = vector.extract_strided_slice %mul3A {offsets = [16, 0], sizes = [8, 128], strides = [1, 1]} : vector<256x256xf32> to vector<8x128xf32>
    %add3A_33 = arith.addf %add3A_29, %slice3A_32 : vector<8x128xf32>
    %slice3A_34 = vector.extract_strided_slice %max3A {offsets = [16, 0], sizes = [8, 128], strides = [1, 1]} : vector<256x256xf32> to vector<8x128xf32>
    %add3A_35 = arith.addf %add3A_31, %slice3A_34 : vector<8x128xf32>
    %slice3A_36 = vector.extract_strided_slice %mul3A {offsets = [16, 128], sizes = [8, 128], strides = [1, 1]} : vector<256x256xf32> to vector<8x128xf32>
    %add3A_37 = arith.addf %add3A_33, %slice3A_36 : vector<8x128xf32>
    %slice3A_38 = vector.extract_strided_slice %max3A {offsets = [16, 128], sizes = [8, 128], strides = [1, 1]} : vector<256x256xf32> to vector<8x128xf32>
    %add3A_39 = arith.addf %add3A_35, %slice3A_38 : vector<8x128xf32>
    %slice3A_40 = vector.extract_strided_slice %mul3A {offsets = [24, 0], sizes = [8, 128], strides = [1, 1]} : vector<256x256xf32> to vector<8x128xf32>
    %add3A_41 = arith.addf %add3A_37, %slice3A_40 : vector<8x128xf32>
    %slice3A_42 = vector.extract_strided_slice %max3A {offsets = [24, 0], sizes = [8, 128], strides = [1, 1]} : vector<256x256xf32> to vector<8x128xf32>
    %add3A_43 = arith.addf %add3A_39, %slice3A_42 : vector<8x128xf32>
    %slice3A_44 = vector.extract_strided_slice %mul3A {offsets = [24, 128], sizes = [8, 128], strides = [1, 1]} : vector<256x256xf32> to vector<8x128xf32>
    %add3A_45 = arith.addf %add3A_41, %slice3A_44 : vector<8x128xf32>
    %slice3A_46 = vector.extract_strided_slice %max3A {offsets = [24, 128], sizes = [8, 128], strides = [1, 1]} : vector<256x256xf32> to vector<8x128xf32>
    %add3A_47 = arith.addf %add3A_43, %slice3A_46 : vector<8x128xf32>
    %slice3A_48 = vector.extract_strided_slice %mul3A {offsets = [32, 0], sizes = [8, 128], strides = [1, 1]} : vector<256x256xf32> to vector<8x128xf32>
    %add3A_49 = arith.addf %add3A_45, %slice3A_48 : vector<8x128xf32>
    %slice3A_50 = vector.extract_strided_slice %max3A {offsets = [32, 0], sizes = [8, 128], strides = [1, 1]} : vector<256x256xf32> to vector<8x128xf32>
    %add3A_51 = arith.addf %add3A_47, %slice3A_50 : vector<8x128xf32>
    %slice3A_52 = vector.extract_strided_slice %mul3A {offsets = [32, 128], sizes = [8, 128], strides = [1, 1]} : vector<256x256xf32> to vector<8x128xf32>
    %add3A_53 = arith.addf %add3A_49, %slice3A_52 : vector<8x128xf32>
    %slice3A_54 = vector.extract_strided_slice %max3A {offsets = [32, 128], sizes = [8, 128], strides = [1, 1]} : vector<256x256xf32> to vector<8x128xf32>
    %add3A_55 = arith.addf %add3A_51, %slice3A_54 : vector<8x128xf32>
    %slice3A_56 = vector.extract_strided_slice %mul3A {offsets = [40, 0], sizes = [8, 128], strides = [1, 1]} : vector<256x256xf32> to vector<8x128xf32>
    %add3A_57 = arith.addf %add3A_53, %slice3A_56 : vector<8x128xf32>
    %slice3A_58 = vector.extract_strided_slice %max3A {offsets = [40, 0], sizes = [8, 128], strides = [1, 1]} : vector<256x256xf32> to vector<8x128xf32>
    %add3A_59 = arith.addf %add3A_55, %slice3A_58 : vector<8x128xf32>
    %slice3A_60 = vector.extract_strided_slice %mul3A {offsets = [40, 128], sizes = [8, 128], strides = [1, 1]} : vector<256x256xf32> to vector<8x128xf32>
    %add3A_61 = arith.addf %add3A_57, %slice3A_60 : vector<8x128xf32>
    %slice3A_62 = vector.extract_strided_slice %max3A {offsets = [40, 128], sizes = [8, 128], strides = [1, 1]} : vector<256x256xf32> to vector<8x128xf32>
    %add3A_63 = arith.addf %add3A_59, %slice3A_62 : vector<8x128xf32>
    %slice3A_64 = vector.extract_strided_slice %mul3A {offsets = [48, 0], sizes = [8, 128], strides = [1, 1]} : vector<256x256xf32> to vector<8x128xf32>
    %add3A_65 = arith.addf %add3A_61, %slice3A_64 : vector<8x128xf32>
    %slice3A_66 = vector.extract_strided_slice %max3A {offsets = [48, 0], sizes = [8, 128], strides = [1, 1]} : vector<256x256xf32> to vector<8x128xf32>
    %add3A_67 = arith.addf %add3A_63, %slice3A_66 : vector<8x128xf32>
    %slice3A_68 = vector.extract_strided_slice %mul3A {offsets = [48, 128], sizes = [8, 128], strides = [1, 1]} : vector<256x256xf32> to vector<8x128xf32>
    %add3A_69 = arith.addf %add3A_65, %slice3A_68 : vector<8x128xf32>
    %slice3A_70 = vector.extract_strided_slice %max3A {offsets = [48, 128], sizes = [8, 128], strides = [1, 1]} : vector<256x256xf32> to vector<8x128xf32>
    %add3A_71 = arith.addf %add3A_67, %slice3A_70 : vector<8x128xf32>
    %slice3A_72 = vector.extract_strided_slice %mul3A {offsets = [56, 0], sizes = [8, 128], strides = [1, 1]} : vector<256x256xf32> to vector<8x128xf32>
    %add3A_73 = arith.addf %add3A_69, %slice3A_72 : vector<8x128xf32>
    %slice3A_74 = vector.extract_strided_slice %max3A {offsets = [56, 0], sizes = [8, 128], strides = [1, 1]} : vector<256x256xf32> to vector<8x128xf32>
    %add3A_75 = arith.addf %add3A_71, %slice3A_74 : vector<8x128xf32>
    %slice3A_76 = vector.extract_strided_slice %mul3A {offsets = [56, 128], sizes = [8, 128], strides = [1, 1]} : vector<256x256xf32> to vector<8x128xf32>
    %add3A_77 = arith.addf %add3A_73, %slice3A_76 : vector<8x128xf32>
    %slice3A_78 = vector.extract_strided_slice %max3A {offsets = [56, 128], sizes = [8, 128], strides = [1, 1]} : vector<256x256xf32> to vector<8x128xf32>
    %add3A_79 = arith.addf %add3A_75, %slice3A_78 : vector<8x128xf32>
    %slice3A_80 = vector.extract_strided_slice %mul3A {offsets = [64, 0], sizes = [8, 128], strides = [1, 1]} : vector<256x256xf32> to vector<8x128xf32>
    %add3A_81 = arith.addf %add3A_77, %slice3A_80 : vector<8x128xf32>
    %slice3A_82 = vector.extract_strided_slice %max3A {offsets = [64, 0], sizes = [8, 128], strides = [1, 1]} : vector<256x256xf32> to vector<8x128xf32>
    %add3A_83 = arith.addf %add3A_79, %slice3A_82 : vector<8x128xf32>
    %slice3A_84 = vector.extract_strided_slice %mul3A {offsets = [64, 128], sizes = [8, 128], strides = [1, 1]} : vector<256x256xf32> to vector<8x128xf32>
    %add3A_85 = arith.addf %add3A_81, %slice3A_84 : vector<8x128xf32>
    %slice3A_86 = vector.extract_strided_slice %max3A {offsets = [64, 128], sizes = [8, 128], strides = [1, 1]} : vector<256x256xf32> to vector<8x128xf32>
    %add3A_87 = arith.addf %add3A_83, %slice3A_86 : vector<8x128xf32>
    %slice3A_88 = vector.extract_strided_slice %mul3A {offsets = [72, 0], sizes = [8, 128], strides = [1, 1]} : vector<256x256xf32> to vector<8x128xf32>
    %add3A_89 = arith.addf %add3A_85, %slice3A_88 : vector<8x128xf32>
    %slice3A_90 = vector.extract_strided_slice %max3A {offsets = [72, 0], sizes = [8, 128], strides = [1, 1]} : vector<256x256xf32> to vector<8x128xf32>
    %add3A_91 = arith.addf %add3A_87, %slice3A_90 : vector<8x128xf32>
    %slice3A_92 = vector.extract_strided_slice %mul3A {offsets = [72, 128], sizes = [8, 128], strides = [1, 1]} : vector<256x256xf32> to vector<8x128xf32>
    %add3A_93 = arith.addf %add3A_89, %slice3A_92 : vector<8x128xf32>
    %slice3A_94 = vector.extract_strided_slice %max3A {offsets = [72, 128], sizes = [8, 128], strides = [1, 1]} : vector<256x256xf32> to vector<8x128xf32>
    %add3A_95 = arith.addf %add3A_91, %slice3A_94 : vector<8x128xf32>
    %slice3A_96 = vector.extract_strided_slice %mul3A {offsets = [80, 0], sizes = [8, 128], strides = [1, 1]} : vector<256x256xf32> to vector<8x128xf32>
    %add3A_97 = arith.addf %add3A_93, %slice3A_96 : vector<8x128xf32>
    %slice3A_98 = vector.extract_strided_slice %max3A {offsets = [80, 0], sizes = [8, 128], strides = [1, 1]} : vector<256x256xf32> to vector<8x128xf32>
    %add3A_99 = arith.addf %add3A_95, %slice3A_98 : vector<8x128xf32>
    %slice3A_100 = vector.extract_strided_slice %mul3A {offsets = [80, 128], sizes = [8, 128], strides = [1, 1]} : vector<256x256xf32> to vector<8x128xf32>
    %add3A_101 = arith.addf %add3A_97, %slice3A_100 : vector<8x128xf32>
    %slice3A_102 = vector.extract_strided_slice %max3A {offsets = [80, 128], sizes = [8, 128], strides = [1, 1]} : vector<256x256xf32> to vector<8x128xf32>
    %add3A_103 = arith.addf %add3A_99, %slice3A_102 : vector<8x128xf32>
    %slice3A_104 = vector.extract_strided_slice %mul3A {offsets = [88, 0], sizes = [8, 128], strides = [1, 1]} : vector<256x256xf32> to vector<8x128xf32>
    %add3A_105 = arith.addf %add3A_101, %slice3A_104 : vector<8x128xf32>
    %slice3A_106 = vector.extract_strided_slice %max3A {offsets = [88, 0], sizes = [8, 128], strides = [1, 1]} : vector<256x256xf32> to vector<8x128xf32>
    %add3A_107 = arith.addf %add3A_103, %slice3A_106 : vector<8x128xf32>
    %slice3A_108 = vector.extract_strided_slice %mul3A {offsets = [88, 128], sizes = [8, 128], strides = [1, 1]} : vector<256x256xf32> to vector<8x128xf32>
    %add3A_109 = arith.addf %add3A_105, %slice3A_108 : vector<8x128xf32>
    %slice3A_110 = vector.extract_strided_slice %max3A {offsets = [88, 128], sizes = [8, 128], strides = [1, 1]} : vector<256x256xf32> to vector<8x128xf32>
    %add3A_111 = arith.addf %add3A_107, %slice3A_110 : vector<8x128xf32>
    %slice3A_112 = vector.extract_strided_slice %mul3A {offsets = [96, 0], sizes = [8, 128], strides = [1, 1]} : vector<256x256xf32> to vector<8x128xf32>
    %add3A_113 = arith.addf %add3A_109, %slice3A_112 : vector<8x128xf32>
    %slice3A_114 = vector.extract_strided_slice %max3A {offsets = [96, 0], sizes = [8, 128], strides = [1, 1]} : vector<256x256xf32> to vector<8x128xf32>
    %add3A_115 = arith.addf %add3A_111, %slice3A_114 : vector<8x128xf32>
    %slice3A_116 = vector.extract_strided_slice %mul3A {offsets = [96, 128], sizes = [8, 128], strides = [1, 1]} : vector<256x256xf32> to vector<8x128xf32>
    %add3A_117 = arith.addf %add3A_113, %slice3A_116 : vector<8x128xf32>
    %slice3A_118 = vector.extract_strided_slice %max3A {offsets = [96, 128], sizes = [8, 128], strides = [1, 1]} : vector<256x256xf32> to vector<8x128xf32>
    %add3A_119 = arith.addf %add3A_115, %slice3A_118 : vector<8x128xf32>
    %slice3A_120 = vector.extract_strided_slice %mul3A {offsets = [104, 0], sizes = [8, 128], strides = [1, 1]} : vector<256x256xf32> to vector<8x128xf32>
    %add3A_121 = arith.addf %add3A_117, %slice3A_120 : vector<8x128xf32>
    %slice3A_122 = vector.extract_strided_slice %max3A {offsets = [104, 0], sizes = [8, 128], strides = [1, 1]} : vector<256x256xf32> to vector<8x128xf32>
    %add3A_123 = arith.addf %add3A_119, %slice3A_122 : vector<8x128xf32>
    %slice3A_124 = vector.extract_strided_slice %mul3A {offsets = [104, 128], sizes = [8, 128], strides = [1, 1]} : vector<256x256xf32> to vector<8x128xf32>
    %add3A_125 = arith.addf %add3A_121, %slice3A_124 : vector<8x128xf32>
    %slice3A_126 = vector.extract_strided_slice %max3A {offsets = [104, 128], sizes = [8, 128], strides = [1, 1]} : vector<256x256xf32> to vector<8x128xf32>
    %add3A_127 = arith.addf %add3A_123, %slice3A_126 : vector<8x128xf32>
    %slice3A_128 = vector.extract_strided_slice %mul3A {offsets = [112, 0], sizes = [8, 128], strides = [1, 1]} : vector<256x256xf32> to vector<8x128xf32>
    %add3A_129 = arith.addf %add3A_125, %slice3A_128 : vector<8x128xf32>
    %slice3A_130 = vector.extract_strided_slice %max3A {offsets = [112, 0], sizes = [8, 128], strides = [1, 1]} : vector<256x256xf32> to vector<8x128xf32>
    %add3A_131 = arith.addf %add3A_127, %slice3A_130 : vector<8x128xf32>
    %slice3A_132 = vector.extract_strided_slice %mul3A {offsets = [112, 128], sizes = [8, 128], strides = [1, 1]} : vector<256x256xf32> to vector<8x128xf32>
    %add3A_133 = arith.addf %add3A_129, %slice3A_132 : vector<8x128xf32>
    %slice3A_134 = vector.extract_strided_slice %max3A {offsets = [112, 128], sizes = [8, 128], strides = [1, 1]} : vector<256x256xf32> to vector<8x128xf32>
    %add3A_135 = arith.addf %add3A_131, %slice3A_134 : vector<8x128xf32>
    %slice3A_136 = vector.extract_strided_slice %mul3A {offsets = [120, 0], sizes = [8, 128], strides = [1, 1]} : vector<256x256xf32> to vector<8x128xf32>
    %add3A_137 = arith.addf %add3A_133, %slice3A_136 : vector<8x128xf32>
    %slice3A_138 = vector.extract_strided_slice %max3A {offsets = [120, 0], sizes = [8, 128], strides = [1, 1]} : vector<256x256xf32> to vector<8x128xf32>
    %add3A_139 = arith.addf %add3A_135, %slice3A_138 : vector<8x128xf32>
    %slice3A_140 = vector.extract_strided_slice %mul3A {offsets = [120, 128], sizes = [8, 128], strides = [1, 1]} : vector<256x256xf32> to vector<8x128xf32>
    %add3A_141 = arith.addf %add3A_137, %slice3A_140 : vector<8x128xf32>
    %slice3A_142 = vector.extract_strided_slice %max3A {offsets = [120, 128], sizes = [8, 128], strides = [1, 1]} : vector<256x256xf32> to vector<8x128xf32>
    %add3A_143 = arith.addf %add3A_139, %slice3A_142 : vector<8x128xf32>
    %slice3A_144 = vector.extract_strided_slice %mul3A {offsets = [128, 0], sizes = [8, 128], strides = [1, 1]} : vector<256x256xf32> to vector<8x128xf32>
    %add3A_145 = arith.addf %add3A_141, %slice3A_144 : vector<8x128xf32>
    %slice3A_146 = vector.extract_strided_slice %max3A {offsets = [128, 0], sizes = [8, 128], strides = [1, 1]} : vector<256x256xf32> to vector<8x128xf32>
    %add3A_147 = arith.addf %add3A_143, %slice3A_146 : vector<8x128xf32>
    %slice3A_148 = vector.extract_strided_slice %mul3A {offsets = [128, 128], sizes = [8, 128], strides = [1, 1]} : vector<256x256xf32> to vector<8x128xf32>
    %add3A_149 = arith.addf %add3A_145, %slice3A_148 : vector<8x128xf32>
    %slice3A_150 = vector.extract_strided_slice %max3A {offsets = [128, 128], sizes = [8, 128], strides = [1, 1]} : vector<256x256xf32> to vector<8x128xf32>
    %add3A_151 = arith.addf %add3A_147, %slice3A_150 : vector<8x128xf32>
    %slice3A_152 = vector.extract_strided_slice %mul3A {offsets = [136, 0], sizes = [8, 128], strides = [1, 1]} : vector<256x256xf32> to vector<8x128xf32>
    %add3A_153 = arith.addf %add3A_149, %slice3A_152 : vector<8x128xf32>
    %slice3A_154 = vector.extract_strided_slice %max3A {offsets = [136, 0], sizes = [8, 128], strides = [1, 1]} : vector<256x256xf32> to vector<8x128xf32>
    %add3A_155 = arith.addf %add3A_151, %slice3A_154 : vector<8x128xf32>
    %slice3A_156 = vector.extract_strided_slice %mul3A {offsets = [136, 128], sizes = [8, 128], strides = [1, 1]} : vector<256x256xf32> to vector<8x128xf32>
    %add3A_157 = arith.addf %add3A_153, %slice3A_156 : vector<8x128xf32>
    %slice3A_158 = vector.extract_strided_slice %max3A {offsets = [136, 128], sizes = [8, 128], strides = [1, 1]} : vector<256x256xf32> to vector<8x128xf32>
    %add3A_159 = arith.addf %add3A_155, %slice3A_158 : vector<8x128xf32>
    %slice3A_160 = vector.extract_strided_slice %mul3A {offsets = [144, 0], sizes = [8, 128], strides = [1, 1]} : vector<256x256xf32> to vector<8x128xf32>
    %add3A_161 = arith.addf %add3A_157, %slice3A_160 : vector<8x128xf32>
    %slice3A_162 = vector.extract_strided_slice %max3A {offsets = [144, 0], sizes = [8, 128], strides = [1, 1]} : vector<256x256xf32> to vector<8x128xf32>
    %add3A_163 = arith.addf %add3A_159, %slice3A_162 : vector<8x128xf32>
    %slice3A_164 = vector.extract_strided_slice %mul3A {offsets = [144, 128], sizes = [8, 128], strides = [1, 1]} : vector<256x256xf32> to vector<8x128xf32>
    %add3A_165 = arith.addf %add3A_161, %slice3A_164 : vector<8x128xf32>
    %slice3A_166 = vector.extract_strided_slice %max3A {offsets = [144, 128], sizes = [8, 128], strides = [1, 1]} : vector<256x256xf32> to vector<8x128xf32>
    %add3A_167 = arith.addf %add3A_163, %slice3A_166 : vector<8x128xf32>
    %slice3A_168 = vector.extract_strided_slice %mul3A {offsets = [152, 0], sizes = [8, 128], strides = [1, 1]} : vector<256x256xf32> to vector<8x128xf32>
    %add3A_169 = arith.addf %add3A_165, %slice3A_168 : vector<8x128xf32>
    %slice3A_170 = vector.extract_strided_slice %max3A {offsets = [152, 0], sizes = [8, 128], strides = [1, 1]} : vector<256x256xf32> to vector<8x128xf32>
    %add3A_171 = arith.addf %add3A_167, %slice3A_170 : vector<8x128xf32>
    %slice3A_172 = vector.extract_strided_slice %mul3A {offsets = [152, 128], sizes = [8, 128], strides = [1, 1]} : vector<256x256xf32> to vector<8x128xf32>
    %add3A_173 = arith.addf %add3A_169, %slice3A_172 : vector<8x128xf32>
    %slice3A_174 = vector.extract_strided_slice %max3A {offsets = [152, 128], sizes = [8, 128], strides = [1, 1]} : vector<256x256xf32> to vector<8x128xf32>
    %add3A_175 = arith.addf %add3A_171, %slice3A_174 : vector<8x128xf32>
    %slice3A_176 = vector.extract_strided_slice %mul3A {offsets = [160, 0], sizes = [8, 128], strides = [1, 1]} : vector<256x256xf32> to vector<8x128xf32>
    %add3A_177 = arith.addf %add3A_173, %slice3A_176 : vector<8x128xf32>
    %slice3A_178 = vector.extract_strided_slice %max3A {offsets = [160, 0], sizes = [8, 128], strides = [1, 1]} : vector<256x256xf32> to vector<8x128xf32>
    %add3A_179 = arith.addf %add3A_175, %slice3A_178 : vector<8x128xf32>
    %slice3A_180 = vector.extract_strided_slice %mul3A {offsets = [160, 128], sizes = [8, 128], strides = [1, 1]} : vector<256x256xf32> to vector<8x128xf32>
    %add3A_181 = arith.addf %add3A_177, %slice3A_180 : vector<8x128xf32>
    %slice3A_182 = vector.extract_strided_slice %max3A {offsets = [160, 128], sizes = [8, 128], strides = [1, 1]} : vector<256x256xf32> to vector<8x128xf32>
    %add3A_183 = arith.addf %add3A_179, %slice3A_182 : vector<8x128xf32>
    %slice3A_184 = vector.extract_strided_slice %mul3A {offsets = [168, 0], sizes = [8, 128], strides = [1, 1]} : vector<256x256xf32> to vector<8x128xf32>
    %add3A_185 = arith.addf %add3A_181, %slice3A_184 : vector<8x128xf32>
    %slice3A_186 = vector.extract_strided_slice %max3A {offsets = [168, 0], sizes = [8, 128], strides = [1, 1]} : vector<256x256xf32> to vector<8x128xf32>
    %add3A_187 = arith.addf %add3A_183, %slice3A_186 : vector<8x128xf32>
    %slice3A_188 = vector.extract_strided_slice %mul3A {offsets = [168, 128], sizes = [8, 128], strides = [1, 1]} : vector<256x256xf32> to vector<8x128xf32>
    %add3A_189 = arith.addf %add3A_185, %slice3A_188 : vector<8x128xf32>
    %slice3A_190 = vector.extract_strided_slice %max3A {offsets = [168, 128], sizes = [8, 128], strides = [1, 1]} : vector<256x256xf32> to vector<8x128xf32>
    %add3A_191 = arith.addf %add3A_187, %slice3A_190 : vector<8x128xf32>
    %slice3A_192 = vector.extract_strided_slice %mul3A {offsets = [176, 0], sizes = [8, 128], strides = [1, 1]} : vector<256x256xf32> to vector<8x128xf32>
    %add3A_193 = arith.addf %add3A_189, %slice3A_192 : vector<8x128xf32>
    %slice3A_194 = vector.extract_strided_slice %max3A {offsets = [176, 0], sizes = [8, 128], strides = [1, 1]} : vector<256x256xf32> to vector<8x128xf32>
    %add3A_195 = arith.addf %add3A_191, %slice3A_194 : vector<8x128xf32>
    %slice3A_196 = vector.extract_strided_slice %mul3A {offsets = [176, 128], sizes = [8, 128], strides = [1, 1]} : vector<256x256xf32> to vector<8x128xf32>
    %add3A_197 = arith.addf %add3A_193, %slice3A_196 : vector<8x128xf32>
    %slice3A_198 = vector.extract_strided_slice %max3A {offsets = [176, 128], sizes = [8, 128], strides = [1, 1]} : vector<256x256xf32> to vector<8x128xf32>
    %add3A_199 = arith.addf %add3A_195, %slice3A_198 : vector<8x128xf32>
    %slice3A_200 = vector.extract_strided_slice %mul3A {offsets = [184, 0], sizes = [8, 128], strides = [1, 1]} : vector<256x256xf32> to vector<8x128xf32>
    %add3A_201 = arith.addf %add3A_197, %slice3A_200 : vector<8x128xf32>
    %slice3A_202 = vector.extract_strided_slice %max3A {offsets = [184, 0], sizes = [8, 128], strides = [1, 1]} : vector<256x256xf32> to vector<8x128xf32>
    %add3A_203 = arith.addf %add3A_199, %slice3A_202 : vector<8x128xf32>
    %slice3A_204 = vector.extract_strided_slice %mul3A {offsets = [184, 128], sizes = [8, 128], strides = [1, 1]} : vector<256x256xf32> to vector<8x128xf32>
    %add3A_205 = arith.addf %add3A_201, %slice3A_204 : vector<8x128xf32>
    %slice3A_206 = vector.extract_strided_slice %max3A {offsets = [184, 128], sizes = [8, 128], strides = [1, 1]} : vector<256x256xf32> to vector<8x128xf32>
    %add3A_207 = arith.addf %add3A_203, %slice3A_206 : vector<8x128xf32>
    %slice3A_208 = vector.extract_strided_slice %mul3A {offsets = [192, 0], sizes = [8, 128], strides = [1, 1]} : vector<256x256xf32> to vector<8x128xf32>
    %add3A_209 = arith.addf %add3A_205, %slice3A_208 : vector<8x128xf32>
    %slice3A_210 = vector.extract_strided_slice %max3A {offsets = [192, 0], sizes = [8, 128], strides = [1, 1]} : vector<256x256xf32> to vector<8x128xf32>
    %add3A_211 = arith.addf %add3A_207, %slice3A_210 : vector<8x128xf32>
    %slice3A_212 = vector.extract_strided_slice %mul3A {offsets = [192, 128], sizes = [8, 128], strides = [1, 1]} : vector<256x256xf32> to vector<8x128xf32>
    %add3A_213 = arith.addf %add3A_209, %slice3A_212 : vector<8x128xf32>
    %slice3A_214 = vector.extract_strided_slice %max3A {offsets = [192, 128], sizes = [8, 128], strides = [1, 1]} : vector<256x256xf32> to vector<8x128xf32>
    %add3A_215 = arith.addf %add3A_211, %slice3A_214 : vector<8x128xf32>
    %slice3A_216 = vector.extract_strided_slice %mul3A {offsets = [200, 0], sizes = [8, 128], strides = [1, 1]} : vector<256x256xf32> to vector<8x128xf32>
    %add3A_217 = arith.addf %add3A_213, %slice3A_216 : vector<8x128xf32>
    %slice3A_218 = vector.extract_strided_slice %max3A {offsets = [200, 0], sizes = [8, 128], strides = [1, 1]} : vector<256x256xf32> to vector<8x128xf32>
    %add3A_219 = arith.addf %add3A_215, %slice3A_218 : vector<8x128xf32>
    %slice3A_220 = vector.extract_strided_slice %mul3A {offsets = [200, 128], sizes = [8, 128], strides = [1, 1]} : vector<256x256xf32> to vector<8x128xf32>
    %add3A_221 = arith.addf %add3A_217, %slice3A_220 : vector<8x128xf32>
    %slice3A_222 = vector.extract_strided_slice %max3A {offsets = [200, 128], sizes = [8, 128], strides = [1, 1]} : vector<256x256xf32> to vector<8x128xf32>
    %add3A_223 = arith.addf %add3A_219, %slice3A_222 : vector<8x128xf32>
    %slice3A_224 = vector.extract_strided_slice %mul3A {offsets = [208, 0], sizes = [8, 128], strides = [1, 1]} : vector<256x256xf32> to vector<8x128xf32>
    %add3A_225 = arith.addf %add3A_221, %slice3A_224 : vector<8x128xf32>
    %slice3A_226 = vector.extract_strided_slice %max3A {offsets = [208, 0], sizes = [8, 128], strides = [1, 1]} : vector<256x256xf32> to vector<8x128xf32>
    %add3A_227 = arith.addf %add3A_223, %slice3A_226 : vector<8x128xf32>
    %slice3A_228 = vector.extract_strided_slice %mul3A {offsets = [208, 128], sizes = [8, 128], strides = [1, 1]} : vector<256x256xf32> to vector<8x128xf32>
    %add3A_229 = arith.addf %add3A_225, %slice3A_228 : vector<8x128xf32>
    %slice3A_230 = vector.extract_strided_slice %max3A {offsets = [208, 128], sizes = [8, 128], strides = [1, 1]} : vector<256x256xf32> to vector<8x128xf32>
    %add3A_231 = arith.addf %add3A_227, %slice3A_230 : vector<8x128xf32>
    %slice3A_232 = vector.extract_strided_slice %mul3A {offsets = [216, 0], sizes = [8, 128], strides = [1, 1]} : vector<256x256xf32> to vector<8x128xf32>
    %add3A_233 = arith.addf %add3A_229, %slice3A_232 : vector<8x128xf32>
    %slice3A_234 = vector.extract_strided_slice %max3A {offsets = [216, 0], sizes = [8, 128], strides = [1, 1]} : vector<256x256xf32> to vector<8x128xf32>
    %add3A_235 = arith.addf %add3A_231, %slice3A_234 : vector<8x128xf32>
    %slice3A_236 = vector.extract_strided_slice %mul3A {offsets = [216, 128], sizes = [8, 128], strides = [1, 1]} : vector<256x256xf32> to vector<8x128xf32>
    %add3A_237 = arith.addf %add3A_233, %slice3A_236 : vector<8x128xf32>
    %slice3A_238 = vector.extract_strided_slice %max3A {offsets = [216, 128], sizes = [8, 128], strides = [1, 1]} : vector<256x256xf32> to vector<8x128xf32>
    %add3A_239 = arith.addf %add3A_235, %slice3A_238 : vector<8x128xf32>
    %slice3A_240 = vector.extract_strided_slice %mul3A {offsets = [224, 0], sizes = [8, 128], strides = [1, 1]} : vector<256x256xf32> to vector<8x128xf32>
    %add3A_241 = arith.addf %add3A_237, %slice3A_240 : vector<8x128xf32>
    %slice3A_242 = vector.extract_strided_slice %max3A {offsets = [224, 0], sizes = [8, 128], strides = [1, 1]} : vector<256x256xf32> to vector<8x128xf32>
    %add3A_243 = arith.addf %add3A_239, %slice3A_242 : vector<8x128xf32>
    %slice3A_244 = vector.extract_strided_slice %mul3A {offsets = [224, 128], sizes = [8, 128], strides = [1, 1]} : vector<256x256xf32> to vector<8x128xf32>
    %add3A_245 = arith.addf %add3A_241, %slice3A_244 : vector<8x128xf32>
    %slice3A_246 = vector.extract_strided_slice %max3A {offsets = [224, 128], sizes = [8, 128], strides = [1, 1]} : vector<256x256xf32> to vector<8x128xf32>
    %add3A_247 = arith.addf %add3A_243, %slice3A_246 : vector<8x128xf32>
    %slice3A_248 = vector.extract_strided_slice %mul3A {offsets = [232, 0], sizes = [8, 128], strides = [1, 1]} : vector<256x256xf32> to vector<8x128xf32>
    %add3A_249 = arith.addf %add3A_245, %slice3A_248 : vector<8x128xf32>
    %slice3A_250 = vector.extract_strided_slice %max3A {offsets = [232, 0], sizes = [8, 128], strides = [1, 1]} : vector<256x256xf32> to vector<8x128xf32>
    %add3A_251 = arith.addf %add3A_247, %slice3A_250 : vector<8x128xf32>
    %slice3A_252 = vector.extract_strided_slice %mul3A {offsets = [232, 128], sizes = [8, 128], strides = [1, 1]} : vector<256x256xf32> to vector<8x128xf32>
    %add3A_253 = arith.addf %add3A_249, %slice3A_252 : vector<8x128xf32>
    %slice3A_254 = vector.extract_strided_slice %max3A {offsets = [232, 128], sizes = [8, 128], strides = [1, 1]} : vector<256x256xf32> to vector<8x128xf32>
    %add3A_255 = arith.addf %add3A_251, %slice3A_254 : vector<8x128xf32>
    %slice3A_256 = vector.extract_strided_slice %mul3A {offsets = [240, 0], sizes = [8, 128], strides = [1, 1]} : vector<256x256xf32> to vector<8x128xf32>
    %add3A_257 = arith.addf %add3A_253, %slice3A_256 : vector<8x128xf32>
    %slice3A_258 = vector.extract_strided_slice %max3A {offsets = [240, 0], sizes = [8, 128], strides = [1, 1]} : vector<256x256xf32> to vector<8x128xf32>
    %add3A_259 = arith.addf %add3A_255, %slice3A_258 : vector<8x128xf32>
    %slice3A_260 = vector.extract_strided_slice %mul3A {offsets = [240, 128], sizes = [8, 128], strides = [1, 1]} : vector<256x256xf32> to vector<8x128xf32>
    %add3A_261 = arith.addf %add3A_257, %slice3A_260 : vector<8x128xf32>
    %slice3A_262 = vector.extract_strided_slice %max3A {offsets = [240, 128], sizes = [8, 128], strides = [1, 1]} : vector<256x256xf32> to vector<8x128xf32>
    %add3A_263 = arith.addf %add3A_259, %slice3A_262 : vector<8x128xf32>
    %slice3A_264 = vector.extract_strided_slice %mul3A {offsets = [248, 0], sizes = [8, 128], strides = [1, 1]} : vector<256x256xf32> to vector<8x128xf32>
    %add3A_265 = arith.addf %add3A_261, %slice3A_264 : vector<8x128xf32>
    %slice3A_266 = vector.extract_strided_slice %max3A {offsets = [248, 0], sizes = [8, 128], strides = [1, 1]} : vector<256x256xf32> to vector<8x128xf32>
    %add3A_267 = arith.addf %add3A_263, %slice3A_266 : vector<8x128xf32>
    %slice3A_268 = vector.extract_strided_slice %mul3A {offsets = [248, 128], sizes = [8, 128], strides = [1, 1]} : vector<256x256xf32> to vector<8x128xf32>
    %add3A_269 = arith.addf %add3A_265, %slice3A_268 : vector<8x128xf32>
    %slice3A_270 = vector.extract_strided_slice %max3A {offsets = [248, 128], sizes = [8, 128], strides = [1, 1]} : vector<256x256xf32> to vector<8x128xf32>
    %add3A_271 = arith.addf %add3A_267, %slice3A_270 : vector<8x128xf32>
    %reduce_sum3A = vector.shape_cast %add3A_269 : vector<8x128xf32> to vector<1x8x128xf32>
    %reduce_sum3A_272 = arith.constant dense<0.000000e+00> : vector<1xf32>
    %reduce_sum3A_273 = vector.multi_reduction <add>, %reduce_sum3A, %reduce_sum3A_272 [1, 2] : vector<1x8x128xf32> to vector<1xf32>
    %reduce_sum3A_274 = vector.shape_cast %reduce_sum3A_273 : vector<1xf32> to vector<1x1x1xf32>
    %reduce_sum3A_275 = vector.extract %reduce_sum3A_274[0, 0, 0] : f32 from vector<1x1x1xf32>
    %reduce_sum3A_276 = vector.shape_cast %add3A_271 : vector<8x128xf32> to vector<1x8x128xf32>
    %reduce_sum3A_277 = arith.constant dense<0.000000e+00> : vector<1xf32>
    %reduce_sum3A_278 = vector.multi_reduction <add>, %reduce_sum3A_276, %reduce_sum3A_277 [1, 2] : vector<1x8x128xf32> to vector<1xf32>
    %reduce_sum3A_279 = vector.shape_cast %reduce_sum3A_278 : vector<1xf32> to vector<1x1x1xf32>
    %reduce_sum3A_280 = vector.extract %reduce_sum3A_279[0, 0, 0] : f32 from vector<1x1x1xf32>
    %iota3A = tpu.iota {dimensions = array<i32: 2>} : vector<1x1x128xi32>
    %eq3A = arith.constant 0 : i32
    %eq3A_281 = vector.broadcast %eq3A : i32 to vector<1x1x128xi32>
    %eq3A_282 = arith.cmpi eq, %iota3A, %eq3A_281 : vector<1x1x128xi32>
    %jit3A = arith.constant 0.000000e+00 : f32
    %broadcast_in_dim3A_283 = vector.broadcast %reduce_sum3A_275 : f32 to vector<1x1x128xf32>
    %broadcast_in_dim3A_284 = vector.broadcast %jit3A : f32 to vector<1x1x128xf32>
    %select_n3A = arith.select %eq3A_282, %broadcast_in_dim3A_283, %broadcast_in_dim3A_284 : vector<1x1x128xi1>, vector<1x1x128xf32>
    %eq3A_285 = arith.constant 1 : i32
    %eq3A_286 = vector.broadcast %eq3A_285 : i32 to vector<1x1x128xi32>
    %eq3A_287 = arith.cmpi eq, %iota3A, %eq3A_286 : vector<1x1x128xi32>
    %jit3A_288 = arith.constant 0.000000e+00 : f32
    %broadcast_in_dim3A_289 = vector.broadcast %reduce_sum3A_280 : f32 to vector<1x1x128xf32>
    %broadcast_in_dim3A_290 = vector.broadcast %jit3A_288 : f32 to vector<1x1x128xf32>
    %select_n3A_291 = arith.select %eq3A_287, %broadcast_in_dim3A_289, %broadcast_in_dim3A_290 : vector<1x1x128xi1>, vector<1x1x128xf32>
    %add3A_292 = arith.addf %select_n3A, %select_n3A_291 : vector<1x1x128xf32>
    %swap3A = arith.constant 0 : index
    %swap3A_293 = arith.constant 0 : index
    %swap3A_294 = arith.constant 0 : index
    %swap3A_295 = vector.load %arg4[%swap3A, %swap3A_293, %swap3A_294] : memref<1x1x128xf32, #tpu.memory_space<vmem>>, vector<1x1x128xf32>
    tpu.vector_store %arg4[%swap3A, %swap3A_293, %swap3A_294], %add3A_292 {strides = array<i32>} : memref<1x1x128xf32, #tpu.memory_space<vmem>>, vector<1x1x128xf32>,
    return
  }
  func.func @transform_0(%arg0: i32) -> (i32, i32, i32) {
    %c0_i32 = arith.constant 0 : i32
    %c0_i32_0 = arith.constant 0 : i32
    %c0_i32_1 = arith.constant 0 : i32
    return %arg0, %c0_i32, %c0_i32_0 : i32, i32, i32
  }
  func.func @transform_1(%arg0: i32) -> (i32, i32, i32) {
    %c0_i32 = arith.constant 0 : i32
    %c0_i32_0 = arith.constant 0 : i32
    %c0_i32_1 = arith.constant 0 : i32
    return %arg0, %c0_i32, %c0_i32_0 : i32, i32, i32
  }
  func.func @transform_2(%arg0: i32) -> (i32, i32, i32) {
    %c0_i32 = arith.constant 0 : i32
    %c0_i32_0 = arith.constant 0 : i32
    %c0_i32_1 = arith.constant 0 : i32
    return %arg0, %c0_i32, %c0_i32_0 : i32, i32, i32
  }
  func.func @transform_3(%arg0: i32) -> (i32, i32, i32) {
    %c0_i32 = arith.constant 0 : i32
    %c0_i32_0 = arith.constant 0 : i32
    %c0_i32_1 = arith.constant 0 : i32
    return %arg0, %c0_i32, %c0_i32_0 : i32, i32, i32
  }
}

module attributes {stable_mosaic.version = 14 : i64} {
  func.func @_cov_body(%arg0: i32, %arg1: memref<1x17x256x256xf32, #tpu.memory_space<vmem>>, %arg2: memref<1x20x7xf32, #tpu.memory_space<vmem>>, %arg3: memref<1x7x20xf32, #tpu.memory_space<vmem>>, %arg4: memref<1x256x256xf32, #tpu.memory_space<vmem>>, %arg5: memref<1x256x256xf32, #tpu.memory_space<vmem>>) attributes {dimension_semantics = [#tpu.dimension_semantics<arbitrary>], iteration_bounds = array<i64: 8>, scalar_prefetch = 0 : i64, scratch_operands = 0 : i64, tpu.core_type = #tpu.core_type<tc>, window_params = [{transform_indices = @transform_0, window_bounds = array<i64: 1, 17, 256, 256>}, {transform_indices = @transform_1, window_bounds = array<i64: 1, 20, 7>}, {transform_indices = @transform_2, window_bounds = array<i64: 1, 7, 20>}, {transform_indices = @transform_3, window_bounds = array<i64: 1, 256, 256>}, {transform_indices = @transform_4, window_bounds = array<i64: 1, 256, 256>}]} {
    %get3A = arith.constant 0 : index
    %get3A_0 = arith.constant 1 : index
    %get3A_1 = arith.constant 0 : index
    %get3A_2 = arith.constant 0 : index
    %get3A_3 = vector.load %arg1[%get3A, %get3A_0, %get3A_1, %get3A_2] : memref<1x17x256x256xf32, #tpu.memory_space<vmem>>, vector<1x16x256x256xf32>
    %get3A_4 = vector.shape_cast %get3A_3 : vector<1x16x256x256xf32> to vector<16x256x256xf32>
    %reduce_sum3A = arith.constant dense<0.000000e+00> : vector<256x256xf32>
    %reduce_sum3A_5 = vector.multi_reduction <add>, %get3A_4, %reduce_sum3A [0] : vector<16x256x256xf32> to vector<256x256xf32>
    %abs3A = math.absf %reduce_sum3A_5 : vector<256x256xf32>
    %gt3A = arith.constant 0.000000e+00 : f32
    %gt3A_6 = vector.broadcast %gt3A : f32 to vector<256x256xf32>
    %gt3A_7 = arith.cmpf ogt, %abs3A, %gt3A_6 : vector<256x256xf32>
    %get3A_8 = arith.constant 0 : index
    %get3A_9 = arith.constant 0 : index
    %get3A_10 = arith.constant 0 : index
    %get3A_11 = vector.load %arg3[%get3A_8, %get3A_9, %get3A_10] : memref<1x7x20xf32, #tpu.memory_space<vmem>>, vector<1x7x20xf32>
    %get3A_12 = vector.shape_cast %get3A_11 : vector<1x7x20xf32> to vector<7x20xf32>
    %get3A_13 = arith.constant 0 : index
    %get3A_14 = arith.constant 0 : index
    %get3A_15 = arith.constant 0 : index
    %get3A_16 = vector.load %arg2[%get3A_13, %get3A_14, %get3A_15] : memref<1x20x7xf32, #tpu.memory_space<vmem>>, vector<1x20x7xf32>
    %get3A_17 = vector.shape_cast %get3A_16 : vector<1x20x7xf32> to vector<20x7xf32>
    %slice3A = vector.extract_strided_slice %get3A_12 {offsets = [6, 0], sizes = [1, 20], strides = [1, 1]} : vector<7x20xf32> to vector<1x20xf32>
    %cos3A = math.cos %slice3A : vector<1x20xf32>
    %slice3A_18 = vector.extract_strided_slice %get3A_12 {offsets = [6, 0], sizes = [1, 20], strides = [1, 1]} : vector<7x20xf32> to vector<1x20xf32>
    %sin3A = math.sin %slice3A_18 : vector<1x20xf32>
    %slice3A_19 = vector.extract_strided_slice %get3A_12 {offsets = [2, 0], sizes = [1, 20], strides = [1, 1]} : vector<7x20xf32> to vector<1x20xf32>
    %abs3A_20 = math.absf %slice3A_19 : vector<1x20xf32>
    %slice3A_21 = vector.extract_strided_slice %get3A_12 {offsets = [5, 0], sizes = [1, 20], strides = [1, 1]} : vector<7x20xf32> to vector<1x20xf32>
    %mul3A = arith.constant 5.000000e-01 : f32
    %mul3A_22 = vector.broadcast %mul3A : f32 to vector<1x20xf32>
    %mul3A_23 = arith.mulf %slice3A_21, %mul3A_22 : vector<1x20xf32>
    %lt3A = arith.cmpf olt, %abs3A_20, %mul3A_23 : vector<1x20xf32>
    %slice3A_24 = vector.extract_strided_slice %get3A_12 {offsets = [3, 0], sizes = [1, 20], strides = [1, 1]} : vector<7x20xf32> to vector<1x20xf32>
    %div3A = arith.constant 2.000000e+00 : f32
    %div3A_25 = vector.broadcast %div3A : f32 to vector<1x20xf32>
    %div3A_26 = arith.divf %div3A_25, %slice3A_24 : vector<1x20xf32>
    %slice3A_27 = vector.extract_strided_slice %get3A_12 {offsets = [4, 0], sizes = [1, 20], strides = [1, 1]} : vector<7x20xf32> to vector<1x20xf32>
    %div3A_28 = arith.constant 2.000000e+00 : f32
    %div3A_29 = vector.broadcast %div3A_28 : f32 to vector<1x20xf32>
    %div3A_30 = arith.divf %div3A_29, %slice3A_27 : vector<1x20xf32>
    %slice3A_31 = vector.extract_strided_slice %get3A_12 {offsets = [0, 0], sizes = [1, 20], strides = [1, 1]} : vector<7x20xf32> to vector<1x20xf32>
    %mul3A_32 = arith.mulf %slice3A_31, %cos3A : vector<1x20xf32>
    %slice3A_33 = vector.extract_strided_slice %get3A_12 {offsets = [1, 0], sizes = [1, 20], strides = [1, 1]} : vector<7x20xf32> to vector<1x20xf32>
    %mul3A_34 = arith.mulf %slice3A_33, %sin3A : vector<1x20xf32>
    %add3A = arith.addf %mul3A_32, %mul3A_34 : vector<1x20xf32>
    %neg3A = arith.constant 0.000000e+00 : f32
    %neg3A_35 = vector.broadcast %neg3A : f32 to vector<1x20xf32>
    %neg3A_36 = arith.subf %neg3A_35, %add3A : vector<1x20xf32>
    %mul3A_37 = arith.mulf %neg3A_36, %div3A_26 : vector<1x20xf32>
    %jit3A = arith.constant 1.000000e+09 : f32
    %broadcast_in_dim3A = vector.broadcast %jit3A : f32 to vector<1x20xf32>
    %select_n3A = arith.select %lt3A, %mul3A_37, %broadcast_in_dim3A : vector<1x20xi1>, vector<1x20xf32>
    %slice3A_38 = vector.extract_strided_slice %get3A_12 {offsets = [0, 0], sizes = [1, 20], strides = [1, 1]} : vector<7x20xf32> to vector<1x20xf32>
    %mul3A_39 = arith.mulf %slice3A_38, %sin3A : vector<1x20xf32>
    %slice3A_40 = vector.extract_strided_slice %get3A_12 {offsets = [1, 0], sizes = [1, 20], strides = [1, 1]} : vector<7x20xf32> to vector<1x20xf32>
    %mul3A_41 = arith.mulf %slice3A_40, %cos3A : vector<1x20xf32>
    %sub3A = arith.subf %mul3A_39, %mul3A_41 : vector<1x20xf32>
    %mul3A_42 = arith.mulf %sub3A, %div3A_30 : vector<1x20xf32>
    %jit3A_43 = arith.constant 1.000000e+09 : f32
    %broadcast_in_dim3A_44 = vector.broadcast %jit3A_43 : f32 to vector<1x20xf32>
    %select_n3A_45 = arith.select %lt3A, %mul3A_42, %broadcast_in_dim3A_44 : vector<1x20xi1>, vector<1x20xf32>
    %slice3A_46 = vector.extract_strided_slice %get3A_17 {offsets = [0, 6], sizes = [20, 1], strides = [1, 1]} : vector<20x7xf32> to vector<20x1xf32>
    %cos3A_47 = math.cos %slice3A_46 : vector<20x1xf32>
    %slice3A_48 = vector.extract_strided_slice %get3A_17 {offsets = [0, 6], sizes = [20, 1], strides = [1, 1]} : vector<20x7xf32> to vector<20x1xf32>
    %sin3A_49 = math.sin %slice3A_48 : vector<20x1xf32>
    %slice3A_50 = vector.extract_strided_slice %get3A_17 {offsets = [0, 3], sizes = [20, 1], strides = [1, 1]} : vector<20x7xf32> to vector<20x1xf32>
    %div3A_51 = arith.constant 2.000000e+00 : f32
    %div3A_52 = vector.broadcast %div3A_51 : f32 to vector<20x1xf32>
    %div3A_53 = arith.divf %div3A_52, %slice3A_50 : vector<20x1xf32>
    %slice3A_54 = vector.extract_strided_slice %get3A_17 {offsets = [0, 4], sizes = [20, 1], strides = [1, 1]} : vector<20x7xf32> to vector<20x1xf32>
    %div3A_55 = arith.constant 2.000000e+00 : f32
    %div3A_56 = vector.broadcast %div3A_55 : f32 to vector<20x1xf32>
    %div3A_57 = arith.divf %div3A_56, %slice3A_54 : vector<20x1xf32>
    %iota3A = tpu.iota {dimensions = array<i32: 0>} : vector<256x1xi32>
    %convert_element_type3A = arith.sitofp %iota3A : vector<256x1xi32> to vector<256x1xf32>
    %mul3A_58 = arith.constant 8.000000e-01 : f32
    %mul3A_59 = vector.broadcast %mul3A_58 : f32 to vector<256x1xf32>
    %mul3A_60 = arith.mulf %convert_element_type3A, %mul3A_59 : vector<256x1xf32>
    %mul3A_61 = arith.mulf %cos3A, %div3A_26 : vector<1x20xf32>
    %mul3A_62 = vector.broadcast %mul3A_60 : vector<256x1xf32> to vector<256x20xf32>
    %mul3A_63 = vector.broadcast %mul3A_61 : vector<1x20xf32> to vector<256x20xf32>
    %mul3A_64 = arith.mulf %mul3A_62, %mul3A_63 : vector<256x20xf32>
    %add3A_65 = vector.broadcast %select_n3A : vector<1x20xf32> to vector<256x20xf32>
    %add3A_66 = arith.addf %mul3A_64, %add3A_65 : vector<256x20xf32>
    %neg3A_67 = arith.constant 0.000000e+00 : f32
    %neg3A_68 = vector.broadcast %neg3A_67 : f32 to vector<1x20xf32>
    %neg3A_69 = arith.subf %neg3A_68, %sin3A : vector<1x20xf32>
    %mul3A_70 = arith.mulf %neg3A_69, %div3A_30 : vector<1x20xf32>
    %mul3A_71 = vector.broadcast %mul3A_60 : vector<256x1xf32> to vector<256x20xf32>
    %mul3A_72 = vector.broadcast %mul3A_70 : vector<1x20xf32> to vector<256x20xf32>
    %mul3A_73 = arith.mulf %mul3A_71, %mul3A_72 : vector<256x20xf32>
    %add3A_74 = vector.broadcast %select_n3A_45 : vector<1x20xf32> to vector<256x20xf32>
    %add3A_75 = arith.addf %mul3A_73, %add3A_74 : vector<256x20xf32>
    %iota3A_76 = tpu.iota {dimensions = array<i32: 1>} : vector<1x256xi32>
    %convert_element_type3A_77 = arith.sitofp %iota3A_76 : vector<1x256xi32> to vector<1x256xf32>
    %mul3A_78 = arith.constant 8.000000e-01 : f32
    %mul3A_79 = vector.broadcast %mul3A_78 : f32 to vector<1x256xf32>
    %mul3A_80 = arith.mulf %convert_element_type3A_77, %mul3A_79 : vector<1x256xf32>
    %mul3A_81 = arith.mulf %sin3A_49, %div3A_53 : vector<20x1xf32>
    %mul3A_82 = vector.broadcast %mul3A_81 : vector<20x1xf32> to vector<20x256xf32>
    %mul3A_83 = vector.broadcast %mul3A_80 : vector<1x256xf32> to vector<20x256xf32>
    %mul3A_84 = arith.mulf %mul3A_82, %mul3A_83 : vector<20x256xf32>
    %mul3A_85 = arith.mulf %cos3A_47, %div3A_57 : vector<20x1xf32>
    %mul3A_86 = vector.broadcast %mul3A_85 : vector<20x1xf32> to vector<20x256xf32>
    %mul3A_87 = vector.broadcast %mul3A_80 : vector<1x256xf32> to vector<20x256xf32>
    %mul3A_88 = arith.mulf %mul3A_86, %mul3A_87 : vector<20x256xf32>
    %slice3A_89 = vector.extract_strided_slice %add3A_66 {offsets = [0, 0], sizes = [256, 1], strides = [1, 1]} : vector<256x20xf32> to vector<256x1xf32>
    %slice3A_90 = vector.extract_strided_slice %mul3A_84 {offsets = [0, 0], sizes = [1, 256], strides = [1, 1]} : vector<20x256xf32> to vector<1x256xf32>
    %add3A_91 = vector.broadcast %slice3A_89 : vector<256x1xf32> to vector<256x256xf32>
    %add3A_92 = vector.broadcast %slice3A_90 : vector<1x256xf32> to vector<256x256xf32>
    %add3A_93 = arith.addf %add3A_91, %add3A_92 : vector<256x256xf32>
    %slice3A_94 = vector.extract_strided_slice %add3A_75 {offsets = [0, 0], sizes = [256, 1], strides = [1, 1]} : vector<256x20xf32> to vector<256x1xf32>
    %slice3A_95 = vector.extract_strided_slice %mul3A_88 {offsets = [0, 0], sizes = [1, 256], strides = [1, 1]} : vector<20x256xf32> to vector<1x256xf32>
    %add3A_96 = vector.broadcast %slice3A_94 : vector<256x1xf32> to vector<256x256xf32>
    %add3A_97 = vector.broadcast %slice3A_95 : vector<1x256xf32> to vector<256x256xf32>
    %add3A_98 = arith.addf %add3A_96, %add3A_97 : vector<256x256xf32>
    %abs3A_99 = math.absf %add3A_93 : vector<256x256xf32>
    %abs3A_100 = math.absf %add3A_98 : vector<256x256xf32>
    %max3A = arith.maximumf %abs3A_99, %abs3A_100 : vector<256x256xf32>
    %slice3A_101 = vector.extract_strided_slice %add3A_66 {offsets = [0, 1], sizes = [256, 1], strides = [1, 1]} : vector<256x20xf32> to vector<256x1xf32>
    %slice3A_102 = vector.extract_strided_slice %mul3A_84 {offsets = [1, 0], sizes = [1, 256], strides = [1, 1]} : vector<20x256xf32> to vector<1x256xf32>
    %add3A_103 = vector.broadcast %slice3A_101 : vector<256x1xf32> to vector<256x256xf32>
    %add3A_104 = vector.broadcast %slice3A_102 : vector<1x256xf32> to vector<256x256xf32>
    %add3A_105 = arith.addf %add3A_103, %add3A_104 : vector<256x256xf32>
    %slice3A_106 = vector.extract_strided_slice %add3A_75 {offsets = [0, 1], sizes = [256, 1], strides = [1, 1]} : vector<256x20xf32> to vector<256x1xf32>
    %slice3A_107 = vector.extract_strided_slice %mul3A_88 {offsets = [1, 0], sizes = [1, 256], strides = [1, 1]} : vector<20x256xf32> to vector<1x256xf32>
    %add3A_108 = vector.broadcast %slice3A_106 : vector<256x1xf32> to vector<256x256xf32>
    %add3A_109 = vector.broadcast %slice3A_107 : vector<1x256xf32> to vector<256x256xf32>
    %add3A_110 = arith.addf %add3A_108, %add3A_109 : vector<256x256xf32>
    %abs3A_111 = math.absf %add3A_105 : vector<256x256xf32>
    %abs3A_112 = math.absf %add3A_110 : vector<256x256xf32>
    %max3A_113 = arith.maximumf %abs3A_111, %abs3A_112 : vector<256x256xf32>
    %min3A = arith.minimumf %max3A, %max3A_113 : vector<256x256xf32>
    %slice3A_114 = vector.extract_strided_slice %add3A_66 {offsets = [0, 2], sizes = [256, 1], strides = [1, 1]} : vector<256x20xf32> to vector<256x1xf32>
    %slice3A_115 = vector.extract_strided_slice %mul3A_84 {offsets = [2, 0], sizes = [1, 256], strides = [1, 1]} : vector<20x256xf32> to vector<1x256xf32>
    %add3A_116 = vector.broadcast %slice3A_114 : vector<256x1xf32> to vector<256x256xf32>
    %add3A_117 = vector.broadcast %slice3A_115 : vector<1x256xf32> to vector<256x256xf32>
    %add3A_118 = arith.addf %add3A_116, %add3A_117 : vector<256x256xf32>
    %slice3A_119 = vector.extract_strided_slice %add3A_75 {offsets = [0, 2], sizes = [256, 1], strides = [1, 1]} : vector<256x20xf32> to vector<256x1xf32>
    %slice3A_120 = vector.extract_strided_slice %mul3A_88 {offsets = [2, 0], sizes = [1, 256], strides = [1, 1]} : vector<20x256xf32> to vector<1x256xf32>
    %add3A_121 = vector.broadcast %slice3A_119 : vector<256x1xf32> to vector<256x256xf32>
    %add3A_122 = vector.broadcast %slice3A_120 : vector<1x256xf32> to vector<256x256xf32>
    %add3A_123 = arith.addf %add3A_121, %add3A_122 : vector<256x256xf32>
    %abs3A_124 = math.absf %add3A_118 : vector<256x256xf32>
    %abs3A_125 = math.absf %add3A_123 : vector<256x256xf32>
    %max3A_126 = arith.maximumf %abs3A_124, %abs3A_125 : vector<256x256xf32>
    %min3A_127 = arith.minimumf %min3A, %max3A_126 : vector<256x256xf32>
    %slice3A_128 = vector.extract_strided_slice %add3A_66 {offsets = [0, 3], sizes = [256, 1], strides = [1, 1]} : vector<256x20xf32> to vector<256x1xf32>
    %slice3A_129 = vector.extract_strided_slice %mul3A_84 {offsets = [3, 0], sizes = [1, 256], strides = [1, 1]} : vector<20x256xf32> to vector<1x256xf32>
    %add3A_130 = vector.broadcast %slice3A_128 : vector<256x1xf32> to vector<256x256xf32>
    %add3A_131 = vector.broadcast %slice3A_129 : vector<1x256xf32> to vector<256x256xf32>
    %add3A_132 = arith.addf %add3A_130, %add3A_131 : vector<256x256xf32>
    %slice3A_133 = vector.extract_strided_slice %add3A_75 {offsets = [0, 3], sizes = [256, 1], strides = [1, 1]} : vector<256x20xf32> to vector<256x1xf32>
    %slice3A_134 = vector.extract_strided_slice %mul3A_88 {offsets = [3, 0], sizes = [1, 256], strides = [1, 1]} : vector<20x256xf32> to vector<1x256xf32>
    %add3A_135 = vector.broadcast %slice3A_133 : vector<256x1xf32> to vector<256x256xf32>
    %add3A_136 = vector.broadcast %slice3A_134 : vector<1x256xf32> to vector<256x256xf32>
    %add3A_137 = arith.addf %add3A_135, %add3A_136 : vector<256x256xf32>
    %abs3A_138 = math.absf %add3A_132 : vector<256x256xf32>
    %abs3A_139 = math.absf %add3A_137 : vector<256x256xf32>
    %max3A_140 = arith.maximumf %abs3A_138, %abs3A_139 : vector<256x256xf32>
    %min3A_141 = arith.minimumf %min3A_127, %max3A_140 : vector<256x256xf32>
    %slice3A_142 = vector.extract_strided_slice %add3A_66 {offsets = [0, 4], sizes = [256, 1], strides = [1, 1]} : vector<256x20xf32> to vector<256x1xf32>
    %slice3A_143 = vector.extract_strided_slice %mul3A_84 {offsets = [4, 0], sizes = [1, 256], strides = [1, 1]} : vector<20x256xf32> to vector<1x256xf32>
    %add3A_144 = vector.broadcast %slice3A_142 : vector<256x1xf32> to vector<256x256xf32>
    %add3A_145 = vector.broadcast %slice3A_143 : vector<1x256xf32> to vector<256x256xf32>
    %add3A_146 = arith.addf %add3A_144, %add3A_145 : vector<256x256xf32>
    %slice3A_147 = vector.extract_strided_slice %add3A_75 {offsets = [0, 4], sizes = [256, 1], strides = [1, 1]} : vector<256x20xf32> to vector<256x1xf32>
    %slice3A_148 = vector.extract_strided_slice %mul3A_88 {offsets = [4, 0], sizes = [1, 256], strides = [1, 1]} : vector<20x256xf32> to vector<1x256xf32>
    %add3A_149 = vector.broadcast %slice3A_147 : vector<256x1xf32> to vector<256x256xf32>
    %add3A_150 = vector.broadcast %slice3A_148 : vector<1x256xf32> to vector<256x256xf32>
    %add3A_151 = arith.addf %add3A_149, %add3A_150 : vector<256x256xf32>
    %abs3A_152 = math.absf %add3A_146 : vector<256x256xf32>
    %abs3A_153 = math.absf %add3A_151 : vector<256x256xf32>
    %max3A_154 = arith.maximumf %abs3A_152, %abs3A_153 : vector<256x256xf32>
    %min3A_155 = arith.minimumf %min3A_141, %max3A_154 : vector<256x256xf32>
    %slice3A_156 = vector.extract_strided_slice %add3A_66 {offsets = [0, 5], sizes = [256, 1], strides = [1, 1]} : vector<256x20xf32> to vector<256x1xf32>
    %slice3A_157 = vector.extract_strided_slice %mul3A_84 {offsets = [5, 0], sizes = [1, 256], strides = [1, 1]} : vector<20x256xf32> to vector<1x256xf32>
    %add3A_158 = vector.broadcast %slice3A_156 : vector<256x1xf32> to vector<256x256xf32>
    %add3A_159 = vector.broadcast %slice3A_157 : vector<1x256xf32> to vector<256x256xf32>
    %add3A_160 = arith.addf %add3A_158, %add3A_159 : vector<256x256xf32>
    %slice3A_161 = vector.extract_strided_slice %add3A_75 {offsets = [0, 5], sizes = [256, 1], strides = [1, 1]} : vector<256x20xf32> to vector<256x1xf32>
    %slice3A_162 = vector.extract_strided_slice %mul3A_88 {offsets = [5, 0], sizes = [1, 256], strides = [1, 1]} : vector<20x256xf32> to vector<1x256xf32>
    %add3A_163 = vector.broadcast %slice3A_161 : vector<256x1xf32> to vector<256x256xf32>
    %add3A_164 = vector.broadcast %slice3A_162 : vector<1x256xf32> to vector<256x256xf32>
    %add3A_165 = arith.addf %add3A_163, %add3A_164 : vector<256x256xf32>
    %abs3A_166 = math.absf %add3A_160 : vector<256x256xf32>
    %abs3A_167 = math.absf %add3A_165 : vector<256x256xf32>
    %max3A_168 = arith.maximumf %abs3A_166, %abs3A_167 : vector<256x256xf32>
    %min3A_169 = arith.minimumf %min3A_155, %max3A_168 : vector<256x256xf32>
    %slice3A_170 = vector.extract_strided_slice %add3A_66 {offsets = [0, 6], sizes = [256, 1], strides = [1, 1]} : vector<256x20xf32> to vector<256x1xf32>
    %slice3A_171 = vector.extract_strided_slice %mul3A_84 {offsets = [6, 0], sizes = [1, 256], strides = [1, 1]} : vector<20x256xf32> to vector<1x256xf32>
    %add3A_172 = vector.broadcast %slice3A_170 : vector<256x1xf32> to vector<256x256xf32>
    %add3A_173 = vector.broadcast %slice3A_171 : vector<1x256xf32> to vector<256x256xf32>
    %add3A_174 = arith.addf %add3A_172, %add3A_173 : vector<256x256xf32>
    %slice3A_175 = vector.extract_strided_slice %add3A_75 {offsets = [0, 6], sizes = [256, 1], strides = [1, 1]} : vector<256x20xf32> to vector<256x1xf32>
    %slice3A_176 = vector.extract_strided_slice %mul3A_88 {offsets = [6, 0], sizes = [1, 256], strides = [1, 1]} : vector<20x256xf32> to vector<1x256xf32>
    %add3A_177 = vector.broadcast %slice3A_175 : vector<256x1xf32> to vector<256x256xf32>
    %add3A_178 = vector.broadcast %slice3A_176 : vector<1x256xf32> to vector<256x256xf32>
    %add3A_179 = arith.addf %add3A_177, %add3A_178 : vector<256x256xf32>
    %abs3A_180 = math.absf %add3A_174 : vector<256x256xf32>
    %abs3A_181 = math.absf %add3A_179 : vector<256x256xf32>
    %max3A_182 = arith.maximumf %abs3A_180, %abs3A_181 : vector<256x256xf32>
    %min3A_183 = arith.minimumf %min3A_169, %max3A_182 : vector<256x256xf32>
    %slice3A_184 = vector.extract_strided_slice %add3A_66 {offsets = [0, 7], sizes = [256, 1], strides = [1, 1]} : vector<256x20xf32> to vector<256x1xf32>
    %slice3A_185 = vector.extract_strided_slice %mul3A_84 {offsets = [7, 0], sizes = [1, 256], strides = [1, 1]} : vector<20x256xf32> to vector<1x256xf32>
    %add3A_186 = vector.broadcast %slice3A_184 : vector<256x1xf32> to vector<256x256xf32>
    %add3A_187 = vector.broadcast %slice3A_185 : vector<1x256xf32> to vector<256x256xf32>
    %add3A_188 = arith.addf %add3A_186, %add3A_187 : vector<256x256xf32>
    %slice3A_189 = vector.extract_strided_slice %add3A_75 {offsets = [0, 7], sizes = [256, 1], strides = [1, 1]} : vector<256x20xf32> to vector<256x1xf32>
    %slice3A_190 = vector.extract_strided_slice %mul3A_88 {offsets = [7, 0], sizes = [1, 256], strides = [1, 1]} : vector<20x256xf32> to vector<1x256xf32>
    %add3A_191 = vector.broadcast %slice3A_189 : vector<256x1xf32> to vector<256x256xf32>
    %add3A_192 = vector.broadcast %slice3A_190 : vector<1x256xf32> to vector<256x256xf32>
    %add3A_193 = arith.addf %add3A_191, %add3A_192 : vector<256x256xf32>
    %abs3A_194 = math.absf %add3A_188 : vector<256x256xf32>
    %abs3A_195 = math.absf %add3A_193 : vector<256x256xf32>
    %max3A_196 = arith.maximumf %abs3A_194, %abs3A_195 : vector<256x256xf32>
    %min3A_197 = arith.minimumf %min3A_183, %max3A_196 : vector<256x256xf32>
    %slice3A_198 = vector.extract_strided_slice %add3A_66 {offsets = [0, 8], sizes = [256, 1], strides = [1, 1]} : vector<256x20xf32> to vector<256x1xf32>
    %slice3A_199 = vector.extract_strided_slice %mul3A_84 {offsets = [8, 0], sizes = [1, 256], strides = [1, 1]} : vector<20x256xf32> to vector<1x256xf32>
    %add3A_200 = vector.broadcast %slice3A_198 : vector<256x1xf32> to vector<256x256xf32>
    %add3A_201 = vector.broadcast %slice3A_199 : vector<1x256xf32> to vector<256x256xf32>
    %add3A_202 = arith.addf %add3A_200, %add3A_201 : vector<256x256xf32>
    %slice3A_203 = vector.extract_strided_slice %add3A_75 {offsets = [0, 8], sizes = [256, 1], strides = [1, 1]} : vector<256x20xf32> to vector<256x1xf32>
    %slice3A_204 = vector.extract_strided_slice %mul3A_88 {offsets = [8, 0], sizes = [1, 256], strides = [1, 1]} : vector<20x256xf32> to vector<1x256xf32>
    %add3A_205 = vector.broadcast %slice3A_203 : vector<256x1xf32> to vector<256x256xf32>
    %add3A_206 = vector.broadcast %slice3A_204 : vector<1x256xf32> to vector<256x256xf32>
    %add3A_207 = arith.addf %add3A_205, %add3A_206 : vector<256x256xf32>
    %abs3A_208 = math.absf %add3A_202 : vector<256x256xf32>
    %abs3A_209 = math.absf %add3A_207 : vector<256x256xf32>
    %max3A_210 = arith.maximumf %abs3A_208, %abs3A_209 : vector<256x256xf32>
    %min3A_211 = arith.minimumf %min3A_197, %max3A_210 : vector<256x256xf32>
    %slice3A_212 = vector.extract_strided_slice %add3A_66 {offsets = [0, 9], sizes = [256, 1], strides = [1, 1]} : vector<256x20xf32> to vector<256x1xf32>
    %slice3A_213 = vector.extract_strided_slice %mul3A_84 {offsets = [9, 0], sizes = [1, 256], strides = [1, 1]} : vector<20x256xf32> to vector<1x256xf32>
    %add3A_214 = vector.broadcast %slice3A_212 : vector<256x1xf32> to vector<256x256xf32>
    %add3A_215 = vector.broadcast %slice3A_213 : vector<1x256xf32> to vector<256x256xf32>
    %add3A_216 = arith.addf %add3A_214, %add3A_215 : vector<256x256xf32>
    %slice3A_217 = vector.extract_strided_slice %add3A_75 {offsets = [0, 9], sizes = [256, 1], strides = [1, 1]} : vector<256x20xf32> to vector<256x1xf32>
    %slice3A_218 = vector.extract_strided_slice %mul3A_88 {offsets = [9, 0], sizes = [1, 256], strides = [1, 1]} : vector<20x256xf32> to vector<1x256xf32>
    %add3A_219 = vector.broadcast %slice3A_217 : vector<256x1xf32> to vector<256x256xf32>
    %add3A_220 = vector.broadcast %slice3A_218 : vector<1x256xf32> to vector<256x256xf32>
    %add3A_221 = arith.addf %add3A_219, %add3A_220 : vector<256x256xf32>
    %abs3A_222 = math.absf %add3A_216 : vector<256x256xf32>
    %abs3A_223 = math.absf %add3A_221 : vector<256x256xf32>
    %max3A_224 = arith.maximumf %abs3A_222, %abs3A_223 : vector<256x256xf32>
    %min3A_225 = arith.minimumf %min3A_211, %max3A_224 : vector<256x256xf32>
    %slice3A_226 = vector.extract_strided_slice %add3A_66 {offsets = [0, 10], sizes = [256, 1], strides = [1, 1]} : vector<256x20xf32> to vector<256x1xf32>
    %slice3A_227 = vector.extract_strided_slice %mul3A_84 {offsets = [10, 0], sizes = [1, 256], strides = [1, 1]} : vector<20x256xf32> to vector<1x256xf32>
    %add3A_228 = vector.broadcast %slice3A_226 : vector<256x1xf32> to vector<256x256xf32>
    %add3A_229 = vector.broadcast %slice3A_227 : vector<1x256xf32> to vector<256x256xf32>
    %add3A_230 = arith.addf %add3A_228, %add3A_229 : vector<256x256xf32>
    %slice3A_231 = vector.extract_strided_slice %add3A_75 {offsets = [0, 10], sizes = [256, 1], strides = [1, 1]} : vector<256x20xf32> to vector<256x1xf32>
    %slice3A_232 = vector.extract_strided_slice %mul3A_88 {offsets = [10, 0], sizes = [1, 256], strides = [1, 1]} : vector<20x256xf32> to vector<1x256xf32>
    %add3A_233 = vector.broadcast %slice3A_231 : vector<256x1xf32> to vector<256x256xf32>
    %add3A_234 = vector.broadcast %slice3A_232 : vector<1x256xf32> to vector<256x256xf32>
    %add3A_235 = arith.addf %add3A_233, %add3A_234 : vector<256x256xf32>
    %abs3A_236 = math.absf %add3A_230 : vector<256x256xf32>
    %abs3A_237 = math.absf %add3A_235 : vector<256x256xf32>
    %max3A_238 = arith.maximumf %abs3A_236, %abs3A_237 : vector<256x256xf32>
    %min3A_239 = arith.minimumf %min3A_225, %max3A_238 : vector<256x256xf32>
    %slice3A_240 = vector.extract_strided_slice %add3A_66 {offsets = [0, 11], sizes = [256, 1], strides = [1, 1]} : vector<256x20xf32> to vector<256x1xf32>
    %slice3A_241 = vector.extract_strided_slice %mul3A_84 {offsets = [11, 0], sizes = [1, 256], strides = [1, 1]} : vector<20x256xf32> to vector<1x256xf32>
    %add3A_242 = vector.broadcast %slice3A_240 : vector<256x1xf32> to vector<256x256xf32>
    %add3A_243 = vector.broadcast %slice3A_241 : vector<1x256xf32> to vector<256x256xf32>
    %add3A_244 = arith.addf %add3A_242, %add3A_243 : vector<256x256xf32>
    %slice3A_245 = vector.extract_strided_slice %add3A_75 {offsets = [0, 11], sizes = [256, 1], strides = [1, 1]} : vector<256x20xf32> to vector<256x1xf32>
    %slice3A_246 = vector.extract_strided_slice %mul3A_88 {offsets = [11, 0], sizes = [1, 256], strides = [1, 1]} : vector<20x256xf32> to vector<1x256xf32>
    %add3A_247 = vector.broadcast %slice3A_245 : vector<256x1xf32> to vector<256x256xf32>
    %add3A_248 = vector.broadcast %slice3A_246 : vector<1x256xf32> to vector<256x256xf32>
    %add3A_249 = arith.addf %add3A_247, %add3A_248 : vector<256x256xf32>
    %abs3A_250 = math.absf %add3A_244 : vector<256x256xf32>
    %abs3A_251 = math.absf %add3A_249 : vector<256x256xf32>
    %max3A_252 = arith.maximumf %abs3A_250, %abs3A_251 : vector<256x256xf32>
    %min3A_253 = arith.minimumf %min3A_239, %max3A_252 : vector<256x256xf32>
    %slice3A_254 = vector.extract_strided_slice %add3A_66 {offsets = [0, 12], sizes = [256, 1], strides = [1, 1]} : vector<256x20xf32> to vector<256x1xf32>
    %slice3A_255 = vector.extract_strided_slice %mul3A_84 {offsets = [12, 0], sizes = [1, 256], strides = [1, 1]} : vector<20x256xf32> to vector<1x256xf32>
    %add3A_256 = vector.broadcast %slice3A_254 : vector<256x1xf32> to vector<256x256xf32>
    %add3A_257 = vector.broadcast %slice3A_255 : vector<1x256xf32> to vector<256x256xf32>
    %add3A_258 = arith.addf %add3A_256, %add3A_257 : vector<256x256xf32>
    %slice3A_259 = vector.extract_strided_slice %add3A_75 {offsets = [0, 12], sizes = [256, 1], strides = [1, 1]} : vector<256x20xf32> to vector<256x1xf32>
    %slice3A_260 = vector.extract_strided_slice %mul3A_88 {offsets = [12, 0], sizes = [1, 256], strides = [1, 1]} : vector<20x256xf32> to vector<1x256xf32>
    %add3A_261 = vector.broadcast %slice3A_259 : vector<256x1xf32> to vector<256x256xf32>
    %add3A_262 = vector.broadcast %slice3A_260 : vector<1x256xf32> to vector<256x256xf32>
    %add3A_263 = arith.addf %add3A_261, %add3A_262 : vector<256x256xf32>
    %abs3A_264 = math.absf %add3A_258 : vector<256x256xf32>
    %abs3A_265 = math.absf %add3A_263 : vector<256x256xf32>
    %max3A_266 = arith.maximumf %abs3A_264, %abs3A_265 : vector<256x256xf32>
    %min3A_267 = arith.minimumf %min3A_253, %max3A_266 : vector<256x256xf32>
    %slice3A_268 = vector.extract_strided_slice %add3A_66 {offsets = [0, 13], sizes = [256, 1], strides = [1, 1]} : vector<256x20xf32> to vector<256x1xf32>
    %slice3A_269 = vector.extract_strided_slice %mul3A_84 {offsets = [13, 0], sizes = [1, 256], strides = [1, 1]} : vector<20x256xf32> to vector<1x256xf32>
    %add3A_270 = vector.broadcast %slice3A_268 : vector<256x1xf32> to vector<256x256xf32>
    %add3A_271 = vector.broadcast %slice3A_269 : vector<1x256xf32> to vector<256x256xf32>
    %add3A_272 = arith.addf %add3A_270, %add3A_271 : vector<256x256xf32>
    %slice3A_273 = vector.extract_strided_slice %add3A_75 {offsets = [0, 13], sizes = [256, 1], strides = [1, 1]} : vector<256x20xf32> to vector<256x1xf32>
    %slice3A_274 = vector.extract_strided_slice %mul3A_88 {offsets = [13, 0], sizes = [1, 256], strides = [1, 1]} : vector<20x256xf32> to vector<1x256xf32>
    %add3A_275 = vector.broadcast %slice3A_273 : vector<256x1xf32> to vector<256x256xf32>
    %add3A_276 = vector.broadcast %slice3A_274 : vector<1x256xf32> to vector<256x256xf32>
    %add3A_277 = arith.addf %add3A_275, %add3A_276 : vector<256x256xf32>
    %abs3A_278 = math.absf %add3A_272 : vector<256x256xf32>
    %abs3A_279 = math.absf %add3A_277 : vector<256x256xf32>
    %max3A_280 = arith.maximumf %abs3A_278, %abs3A_279 : vector<256x256xf32>
    %min3A_281 = arith.minimumf %min3A_267, %max3A_280 : vector<256x256xf32>
    %slice3A_282 = vector.extract_strided_slice %add3A_66 {offsets = [0, 14], sizes = [256, 1], strides = [1, 1]} : vector<256x20xf32> to vector<256x1xf32>
    %slice3A_283 = vector.extract_strided_slice %mul3A_84 {offsets = [14, 0], sizes = [1, 256], strides = [1, 1]} : vector<20x256xf32> to vector<1x256xf32>
    %add3A_284 = vector.broadcast %slice3A_282 : vector<256x1xf32> to vector<256x256xf32>
    %add3A_285 = vector.broadcast %slice3A_283 : vector<1x256xf32> to vector<256x256xf32>
    %add3A_286 = arith.addf %add3A_284, %add3A_285 : vector<256x256xf32>
    %slice3A_287 = vector.extract_strided_slice %add3A_75 {offsets = [0, 14], sizes = [256, 1], strides = [1, 1]} : vector<256x20xf32> to vector<256x1xf32>
    %slice3A_288 = vector.extract_strided_slice %mul3A_88 {offsets = [14, 0], sizes = [1, 256], strides = [1, 1]} : vector<20x256xf32> to vector<1x256xf32>
    %add3A_289 = vector.broadcast %slice3A_287 : vector<256x1xf32> to vector<256x256xf32>
    %add3A_290 = vector.broadcast %slice3A_288 : vector<1x256xf32> to vector<256x256xf32>
    %add3A_291 = arith.addf %add3A_289, %add3A_290 : vector<256x256xf32>
    %abs3A_292 = math.absf %add3A_286 : vector<256x256xf32>
    %abs3A_293 = math.absf %add3A_291 : vector<256x256xf32>
    %max3A_294 = arith.maximumf %abs3A_292, %abs3A_293 : vector<256x256xf32>
    %min3A_295 = arith.minimumf %min3A_281, %max3A_294 : vector<256x256xf32>
    %slice3A_296 = vector.extract_strided_slice %add3A_66 {offsets = [0, 15], sizes = [256, 1], strides = [1, 1]} : vector<256x20xf32> to vector<256x1xf32>
    %slice3A_297 = vector.extract_strided_slice %mul3A_84 {offsets = [15, 0], sizes = [1, 256], strides = [1, 1]} : vector<20x256xf32> to vector<1x256xf32>
    %add3A_298 = vector.broadcast %slice3A_296 : vector<256x1xf32> to vector<256x256xf32>
    %add3A_299 = vector.broadcast %slice3A_297 : vector<1x256xf32> to vector<256x256xf32>
    %add3A_300 = arith.addf %add3A_298, %add3A_299 : vector<256x256xf32>
    %slice3A_301 = vector.extract_strided_slice %add3A_75 {offsets = [0, 15], sizes = [256, 1], strides = [1, 1]} : vector<256x20xf32> to vector<256x1xf32>
    %slice3A_302 = vector.extract_strided_slice %mul3A_88 {offsets = [15, 0], sizes = [1, 256], strides = [1, 1]} : vector<20x256xf32> to vector<1x256xf32>
    %add3A_303 = vector.broadcast %slice3A_301 : vector<256x1xf32> to vector<256x256xf32>
    %add3A_304 = vector.broadcast %slice3A_302 : vector<1x256xf32> to vector<256x256xf32>
    %add3A_305 = arith.addf %add3A_303, %add3A_304 : vector<256x256xf32>
    %abs3A_306 = math.absf %add3A_300 : vector<256x256xf32>
    %abs3A_307 = math.absf %add3A_305 : vector<256x256xf32>
    %max3A_308 = arith.maximumf %abs3A_306, %abs3A_307 : vector<256x256xf32>
    %min3A_309 = arith.minimumf %min3A_295, %max3A_308 : vector<256x256xf32>
    %slice3A_310 = vector.extract_strided_slice %add3A_66 {offsets = [0, 16], sizes = [256, 1], strides = [1, 1]} : vector<256x20xf32> to vector<256x1xf32>
    %slice3A_311 = vector.extract_strided_slice %mul3A_84 {offsets = [16, 0], sizes = [1, 256], strides = [1, 1]} : vector<20x256xf32> to vector<1x256xf32>
    %add3A_312 = vector.broadcast %slice3A_310 : vector<256x1xf32> to vector<256x256xf32>
    %add3A_313 = vector.broadcast %slice3A_311 : vector<1x256xf32> to vector<256x256xf32>
    %add3A_314 = arith.addf %add3A_312, %add3A_313 : vector<256x256xf32>
    %slice3A_315 = vector.extract_strided_slice %add3A_75 {offsets = [0, 16], sizes = [256, 1], strides = [1, 1]} : vector<256x20xf32> to vector<256x1xf32>
    %slice3A_316 = vector.extract_strided_slice %mul3A_88 {offsets = [16, 0], sizes = [1, 256], strides = [1, 1]} : vector<20x256xf32> to vector<1x256xf32>
    %add3A_317 = vector.broadcast %slice3A_315 : vector<256x1xf32> to vector<256x256xf32>
    %add3A_318 = vector.broadcast %slice3A_316 : vector<1x256xf32> to vector<256x256xf32>
    %add3A_319 = arith.addf %add3A_317, %add3A_318 : vector<256x256xf32>
    %abs3A_320 = math.absf %add3A_314 : vector<256x256xf32>
    %abs3A_321 = math.absf %add3A_319 : vector<256x256xf32>
    %max3A_322 = arith.maximumf %abs3A_320, %abs3A_321 : vector<256x256xf32>
    %min3A_323 = arith.minimumf %min3A_309, %max3A_322 : vector<256x256xf32>
    %slice3A_324 = vector.extract_strided_slice %add3A_66 {offsets = [0, 17], sizes = [256, 1], strides = [1, 1]} : vector<256x20xf32> to vector<256x1xf32>
    %slice3A_325 = vector.extract_strided_slice %mul3A_84 {offsets = [17, 0], sizes = [1, 256], strides = [1, 1]} : vector<20x256xf32> to vector<1x256xf32>
    %add3A_326 = vector.broadcast %slice3A_324 : vector<256x1xf32> to vector<256x256xf32>
    %add3A_327 = vector.broadcast %slice3A_325 : vector<1x256xf32> to vector<256x256xf32>
    %add3A_328 = arith.addf %add3A_326, %add3A_327 : vector<256x256xf32>
    %slice3A_329 = vector.extract_strided_slice %add3A_75 {offsets = [0, 17], sizes = [256, 1], strides = [1, 1]} : vector<256x20xf32> to vector<256x1xf32>
    %slice3A_330 = vector.extract_strided_slice %mul3A_88 {offsets = [17, 0], sizes = [1, 256], strides = [1, 1]} : vector<20x256xf32> to vector<1x256xf32>
    %add3A_331 = vector.broadcast %slice3A_329 : vector<256x1xf32> to vector<256x256xf32>
    %add3A_332 = vector.broadcast %slice3A_330 : vector<1x256xf32> to vector<256x256xf32>
    %add3A_333 = arith.addf %add3A_331, %add3A_332 : vector<256x256xf32>
    %abs3A_334 = math.absf %add3A_328 : vector<256x256xf32>
    %abs3A_335 = math.absf %add3A_333 : vector<256x256xf32>
    %max3A_336 = arith.maximumf %abs3A_334, %abs3A_335 : vector<256x256xf32>
    %min3A_337 = arith.minimumf %min3A_323, %max3A_336 : vector<256x256xf32>
    %slice3A_338 = vector.extract_strided_slice %add3A_66 {offsets = [0, 18], sizes = [256, 1], strides = [1, 1]} : vector<256x20xf32> to vector<256x1xf32>
    %slice3A_339 = vector.extract_strided_slice %mul3A_84 {offsets = [18, 0], sizes = [1, 256], strides = [1, 1]} : vector<20x256xf32> to vector<1x256xf32>
    %add3A_340 = vector.broadcast %slice3A_338 : vector<256x1xf32> to vector<256x256xf32>
    %add3A_341 = vector.broadcast %slice3A_339 : vector<1x256xf32> to vector<256x256xf32>
    %add3A_342 = arith.addf %add3A_340, %add3A_341 : vector<256x256xf32>
    %slice3A_343 = vector.extract_strided_slice %add3A_75 {offsets = [0, 18], sizes = [256, 1], strides = [1, 1]} : vector<256x20xf32> to vector<256x1xf32>
    %slice3A_344 = vector.extract_strided_slice %mul3A_88 {offsets = [18, 0], sizes = [1, 256], strides = [1, 1]} : vector<20x256xf32> to vector<1x256xf32>
    %add3A_345 = vector.broadcast %slice3A_343 : vector<256x1xf32> to vector<256x256xf32>
    %add3A_346 = vector.broadcast %slice3A_344 : vector<1x256xf32> to vector<256x256xf32>
    %add3A_347 = arith.addf %add3A_345, %add3A_346 : vector<256x256xf32>
    %abs3A_348 = math.absf %add3A_342 : vector<256x256xf32>
    %abs3A_349 = math.absf %add3A_347 : vector<256x256xf32>
    %max3A_350 = arith.maximumf %abs3A_348, %abs3A_349 : vector<256x256xf32>
    %min3A_351 = arith.minimumf %min3A_337, %max3A_350 : vector<256x256xf32>
    %slice3A_352 = vector.extract_strided_slice %add3A_66 {offsets = [0, 19], sizes = [256, 1], strides = [1, 1]} : vector<256x20xf32> to vector<256x1xf32>
    %slice3A_353 = vector.extract_strided_slice %mul3A_84 {offsets = [19, 0], sizes = [1, 256], strides = [1, 1]} : vector<20x256xf32> to vector<1x256xf32>
    %add3A_354 = vector.broadcast %slice3A_352 : vector<256x1xf32> to vector<256x256xf32>
    %add3A_355 = vector.broadcast %slice3A_353 : vector<1x256xf32> to vector<256x256xf32>
    %add3A_356 = arith.addf %add3A_354, %add3A_355 : vector<256x256xf32>
    %slice3A_357 = vector.extract_strided_slice %add3A_75 {offsets = [0, 19], sizes = [256, 1], strides = [1, 1]} : vector<256x20xf32> to vector<256x1xf32>
    %slice3A_358 = vector.extract_strided_slice %mul3A_88 {offsets = [19, 0], sizes = [1, 256], strides = [1, 1]} : vector<20x256xf32> to vector<1x256xf32>
    %add3A_359 = vector.broadcast %slice3A_357 : vector<256x1xf32> to vector<256x256xf32>
    %add3A_360 = vector.broadcast %slice3A_358 : vector<1x256xf32> to vector<256x256xf32>
    %add3A_361 = arith.addf %add3A_359, %add3A_360 : vector<256x256xf32>
    %abs3A_362 = math.absf %add3A_356 : vector<256x256xf32>
    %abs3A_363 = math.absf %add3A_361 : vector<256x256xf32>
    %max3A_364 = arith.maximumf %abs3A_362, %abs3A_363 : vector<256x256xf32>
    %min3A_365 = arith.minimumf %min3A_351, %max3A_364 : vector<256x256xf32>
    %lt3A_366 = arith.constant 1.000000e+00 : f32
    %lt3A_367 = vector.broadcast %lt3A_366 : f32 to vector<256x256xf32>
    %lt3A_368 = arith.cmpf olt, %min3A_365, %lt3A_367 : vector<256x256xf32>
    %and3A = arith.andi %lt3A_368, %gt3A_7 : vector<256x256xi1>
    %jit3A_369 = arith.constant 1.000000e+00 : f32
    %jit3A_370 = arith.constant 0.000000e+00 : f32
    %broadcast_in_dim3A_371 = vector.broadcast %jit3A_369 : f32 to vector<256x256xf32>
    %broadcast_in_dim3A_372 = vector.broadcast %jit3A_370 : f32 to vector<256x256xf32>
    %select_n3A_373 = arith.select %and3A, %broadcast_in_dim3A_371, %broadcast_in_dim3A_372 : vector<256x256xi1>, vector<256x256xf32>
    %swap3A = arith.constant 0 : index
    %swap3A_374 = arith.constant 0 : index
    %swap3A_375 = arith.constant 0 : index
    %swap3A_376 = vector.load %arg4[%swap3A, %swap3A_374, %swap3A_375] : memref<1x256x256xf32, #tpu.memory_space<vmem>>, vector<1x256x256xf32>
    %swap3A_377 = vector.shape_cast %swap3A_376 : vector<1x256x256xf32> to vector<256x256xf32>
    %swap3A_378 = vector.shape_cast %select_n3A_373 : vector<256x256xf32> to vector<1x256x256xf32>
    tpu.vector_store %arg4[%swap3A, %swap3A_374, %swap3A_375], %swap3A_378 {strides = array<i32>} : memref<1x256x256xf32, #tpu.memory_space<vmem>>, vector<1x256x256xf32>,
    %jit3A_379 = arith.constant 1.000000e+00 : f32
    %jit3A_380 = arith.constant 0.000000e+00 : f32
    %broadcast_in_dim3A_381 = vector.broadcast %jit3A_379 : f32 to vector<256x256xf32>
    %broadcast_in_dim3A_382 = vector.broadcast %jit3A_380 : f32 to vector<256x256xf32>
    %select_n3A_383 = arith.select %lt3A_368, %broadcast_in_dim3A_381, %broadcast_in_dim3A_382 : vector<256x256xi1>, vector<256x256xf32>
    %swap3A_384 = arith.constant 0 : index
    %swap3A_385 = arith.constant 0 : index
    %swap3A_386 = arith.constant 0 : index
    %swap3A_387 = vector.load %arg5[%swap3A_384, %swap3A_385, %swap3A_386] : memref<1x256x256xf32, #tpu.memory_space<vmem>>, vector<1x256x256xf32>
    %swap3A_388 = vector.shape_cast %swap3A_387 : vector<1x256x256xf32> to vector<256x256xf32>
    %swap3A_389 = vector.shape_cast %select_n3A_383 : vector<256x256xf32> to vector<1x256x256xf32>
    tpu.vector_store %arg5[%swap3A_384, %swap3A_385, %swap3A_386], %swap3A_389 {strides = array<i32>} : memref<1x256x256xf32, #tpu.memory_space<vmem>>, vector<1x256x256xf32>,
    return
  }
  func.func @transform_0(%arg0: i32) -> (i32, i32, i32, i32) {
    %c0_i32 = arith.constant 0 : i32
    %c0_i32_0 = arith.constant 0 : i32
    %c0_i32_1 = arith.constant 0 : i32
    %c0_i32_2 = arith.constant 0 : i32
    return %arg0, %c0_i32, %c0_i32_0, %c0_i32_1 : i32, i32, i32, i32
  }
  func.func @transform_1(%arg0: i32) -> (i32, i32, i32) {
    %c0_i32 = arith.constant 0 : i32
    %c0_i32_0 = arith.constant 0 : i32
    %c0_i32_1 = arith.constant 0 : i32
    return %arg0, %c0_i32, %c0_i32_0 : i32, i32, i32
  }
  func.func @transform_2(%arg0: i32) -> (i32, i32, i32) {
    %c0_i32 = arith.constant 0 : i32
    %c0_i32_0 = arith.constant 0 : i32
    %c0_i32_1 = arith.constant 0 : i32
    return %arg0, %c0_i32, %c0_i32_0 : i32, i32, i32
  }
  func.func @transform_3(%arg0: i32) -> (i32, i32, i32) {
    %c0_i32 = arith.constant 0 : i32
    %c0_i32_0 = arith.constant 0 : i32
    %c0_i32_1 = arith.constant 0 : i32
    return %arg0, %c0_i32, %c0_i32_0 : i32, i32, i32
  }
  func.func @transform_4(%arg0: i32) -> (i32, i32, i32) {
    %c0_i32 = arith.constant 0 : i32
    %c0_i32_0 = arith.constant 0 : i32
    %c0_i32_1 = arith.constant 0 : i32
    return %arg0, %c0_i32, %c0_i32_0 : i32, i32, i32
  }
}

</mosaic_0001>

<sc_bundles>
// kernel: kernel.5.cloned.1.call-start
scs
__scs_entry_jumppad:
0x0: {  	(pc) =	sbr.rel $0x88, $3  }
0x1: {  	(tag) =	ssettag $0x0;
	lr =	simm.s32 $0x1  }
0x2: {  	[smem:$0x3F9E] =	sst lr;
	_ =	strace $0xD0000000  }
0x3: {  	_ = 	snop  }
0x4: {  	_ = 	snop  }
0x5: {  	_ = 	snop  }
0x6: {  	_ = 	snop  }
0x7: {  	_ = 	snop  }
__scs_overlays_trampoline_lowered:
0x8: {  	[smem:$0x3FAD] =	sst s0  }
0x9: {  	[smem:$0x3FAE] =	sst s1  }
0xa: {  	[smem:$0x3FAF] =	sst s2  }
0xb: {  	[smem:$0x3FB0] =	sst s3  }
0xc: {  	[smem:$0x3FB1] =	sst s4  }
0xd: {  	[smem:$0x3FB2] =	sst s5  }
0xe: {  	[smem:$0x3FB3] =	sst s6  }
0xf: {  	[smem:$0x3FB4] =	sst s7  }
0x10: {  	[smem:$0x3FB5] =	sst s8  }
0x11: {  	[smem:$0x3FB6] =	sst s9;
	s0 =	simm.s32 @!p0 $0x0  }
0x12: {  	s1 =	sld [smem:$0x3F9C];
	s0 =	simm.s32 @p0 $0x1  }
0x13: {  	[smem:$0x3FB7] =	sst s0;
	s0 =	simm.s32 @!p1 $0x0  }
0x14: {  	s2 =	sld [smem:$0x3F9B];
	s0 =	simm.s32 @p1 $0x1  }
0x15: {  	[smem:$0x3FB8] =	sst s0;
	s0 =	simm.s32 @!p2 $0x0  }
0x16: {  	s3 =	sld [smem:$0x3FDB];
	s0 =	simm.s32 @p2 $0x1  }
0x17: {  	s4 =	simm.s32 $0x1BF5;
	[smem:$0x3FBA] =	sst s0  }
0x18: {  	s0 =	sld [smem:$0x3F9D];
	_ =	swait.ge [sflag:s4], $0x0  }
0x19: {  	s7 =	sld [smem:$0x3F9E]  }
0x1a: {  	s8 =	sadd.s32 $0xFFFFE003, lr  }
0x1b: {  	s9 =	sadd.s32 $0xFFFFFEF7, lr;
	s5 =	simm.s32 $0xFFFFFFFF;
	p2 =	slt.u32 s8, $0xFFFFF086  }
0x1c: {  	p1 =	slt.u32 s9, $0xF7A;
	s5 =	simm.s32 @!p2 $0x0  }
0x1d: {  	s5 =	simm.s32 @p1 $0x1;
	p0 =	seq.s32 s7, s2  }
0x1e: {  	s7 =	smul.u32 @!p0 $0xF7A, s2;
	p2 =	seq.s32 @!p0 s5, $0x0  }
0x1f: {  	s9 =	smul.u32 $0xF7A, s1;
	s8 =	simm.s32 @!p0 $0x1BF5;
	p2 =	por !p2, p0  }
0x20: {  	[sflag:s8] =	ssyncset.s32 @!p0 $0xFFFFF086;
	s6 =	sadd.s32 @!p0 s3, s7;
	s7 =	simm.s32 @!p0 $0x108  }
0x21: {  	s3 =	sadd.s32 s3, s9;
	s6 =	sadd.s32 @!p0 $0x88, s6;
	s7 =	simm.s32 @p2 $0x1082  }
0x22: {  	[simem:s7], [sflag:s8] =	dma.local @!p0 [hbm:s6], $0xF7A  }
0x23: {  	s9 =	sor.u32 $0xD0000000, s2;
	s6 =	simm.s32 $0x108;
	_ =	swait.ge @!p0 [sflag:s8], $0x0  }
0x24: {  	s3 =	sadd.s32 $0x88, s3;
	s6 =	simm.s32 @!p1 $0x1082;
	[sflag:s4] =	ssyncset.s32 $0xFFFFF086  }
0x25: {  	[simem:s6], [sflag:s4] =	dma.local [hbm:s3], $0xF7A  }
0x26: {  	[smem:$0x3F9E] =	sst s1;
	(tag) =	ssettag s2;
	_ =	strace s9  }
0x27: {  	s1 =	sld [smem:$0x3FAE]  }
0x28: {  	s2 =	sld [smem:$0x3FAF]  }
0x29: {  	s4 =	sld [smem:$0x3FB1]  }
0x2a: {  	p0 =	seq.s32 s5, $0x0;
	s5 =	sld [smem:$0x3FB2]  }
0x2b: {  	s6 =	sld [smem:$0x3FB3]  }
0x2c: {  	s7 =	sld [smem:$0x3FB4]  }
0x2d: {  	s3 =	simm.s32 $0x108;
	s8 =	sld [smem:$0x3FB5]  }
0x2e: {  	s3 =	simm.s32 @!p0 $0x1082;
	s9 =	sld [smem:$0x3FB6]  }
0x2f: {  	lr =	sadd.s32 s0, s3;
	s0 =	sld [smem:$0x3FAD]  }
0x30: {  	s3 =	sld [smem:$0x3FB0]  }
0x31: {  	[smem:$0x3FB9] =	sst s10  }
0x32: {  	s10 =	sld [smem:$0x3FB7];
	_ =	sdelay $0x3  }
0x33: {  	p0 =	seq.s32 s10, $0x1;
	s10 =	sld [smem:$0x3FB9];
	_ =	sdelay $0x3  }
0x34: {  	[smem:$0x3FB9] =	sst s10  }
0x35: {  	s10 =	sld [smem:$0x3FB8];
	_ =	sdelay $0x3  }
0x36: {  	p1 =	seq.s32 s10, $0x1;
	s10 =	sld [smem:$0x3FB9];
	_ =	sdelay $0x3  }
0x37: {  	[smem:$0x3FB9] =	sst s10  }
0x38: {  	s10 =	sld [smem:$0x3FBA]  }
0x39: {  	_ = 	snop;
	(pc) =	sbr.ind lr, $3  }
0x3a: {  	_ = 	snop  }
0x3b: {  	_ = 	snop  }
0x3c: {  	p2 =	seq.s32 s10, $0x1;
	s10 =	sld [smem:$0x3FB9]  }
0x3d: {  	_ =	shalt  }
0x3e: {  	_ =	shalt  }
0x3f: {  	_ =	shalt  }
0x40: {  	_ =	shalt  }
0x41: {  	_ =	shalt  }
0x42: {  	_ =	shalt  }
0x43: {  	_ =	shalt  }
0x44: {  	_ =	shalt  }
0x45: {  	_ =	shalt  }
0x46: {  	_ =	shalt  }
0x47: {  	_ =	shalt  }
0x48: {  	_ =	shalt  }
0x49: {  	_ =	shalt  }
0x4a: {  	_ =	shalt  }
0x4b: {  	_ =	shalt  }
0x4c: {  	_ =	shalt  }
0x4d: {  	_ =	shalt  }
0x4e: {  	_ =	shalt  }
0x4f: {  	_ =	shalt  }
0x50: {  	_ =	shalt  }
0x51: {  	_ =	shalt  }
0x52: {  	_ =	shalt  }
0x53: {  	_ =	shalt  }
0x54: {  	_ =	shalt  }
0x55: {  	_ =	shalt  }
0x56: {  	_ =	shalt  }
0x57: {  	_ =	shalt  }
0x58: {  	_ =	shalt  }
0x59: {  	_ =	shalt  }
0x5a: {  	_ =	shalt  }
0x5b: {  	_ =	shalt  }
0x5c: {  	_ =	shalt  }
0x5d: {  	_ =	shalt  }
0x5e: {  	_ =	shalt  }
0x5f: {  	_ =	shalt  }
0x60: {  	_ =	shalt  }
0x61: {  	_ =	shalt  }
0x62: {  	_ =	shalt  }
0x63: {  	_ =	shalt  }
0x64: {  	_ =	shalt  }
0x65: {  	_ =	shalt  }
0x66: {  	_ =	shalt  }
0x67: {  	_ =	shalt  }
0x68: {  	_ =	shalt  }
0x69: {  	_ =	shalt  }
0x6a: {  	_ =	shalt  }
0x6b: {  	_ =	shalt  }
0x6c: {  	_ =	shalt  }
0x6d: {  	_ =	shalt  }
0x6e: {  	_ =	shalt  }
0x6f: {  	_ =	shalt  }
0x70: {  	_ =	shalt  }
0x71: {  	_ =	shalt  }
0x72: {  	_ =	shalt  }
0x73: {  	_ =	shalt  }
0x74: {  	_ =	shalt  }
0x75: {  	_ =	shalt  }
0x76: {  	_ =	shalt  }
0x77: {  	_ =	shalt  }
0x78: {  	_ =	shalt  }
0x79: {  	_ =	shalt  }
0x7a: {  	_ =	shalt  }
0x7b: {  	_ =	shalt  }
0x7c: {  	_ =	shalt  }
0x7d: {  	_ =	shalt  }
0x7e: {  	_ =	shalt  }
0x7f: {  	_ =	shalt  }
0x80: {  	_ =	shalt  }
0x81: {  	_ =	shalt  }
0x82: {  	_ =	shalt  }
0x83: {  	_ =	shalt  }
0x84: {  	_ =	shalt  }
0x85: {  	_ =	shalt  }
0x86: {  	_ =	shalt  }
0x87: {  	_ =	shalt  }
.Lfunc_end0:
.L_simem_size_0:
called_computation_lowered:
.L_overlay_start_0:
0x88: {  	s2 =	sld [smem:$0x3FD9]  }
0x89: {  	s3 =	sld [smem:$0x3FFE];
	_ =	sdelay $0x1  }
0x8a: {  	s1 =	srdreg.scid  }
0x8b: {  	s0 =	sand.u32 $0x1, s1  }
0x8c: {  	s16 =	sshll.u32 s0, $0xA;
	s2 =	sadd.s32 s3, s2  }
0x8d: {  	s2 =	sadd.s32 s2, s16  }
0x8e: {  	[smem:$0x3FC5] =	sst s2  }
0x8f: {  	_ = 	snop  }
0x90: {  	(tm) =	ssettm $0x1  }
0x91: {  	s17 =	sld [smem:$0x3FFB];
	_ =	sdelay $0x3  }
0x92: {  	_ =	strace s17  }
0x93: {  	s2 =	sld [smem:$0x3FFC];
	_ =	sdelay $0x3  }
0x94: {  	_ =	strace s2  }
0x95: {  	s2 =	sld [smem:$0x3FFD];
	_ =	sdelay $0x3  }
0x96: {  	_ =	strace s2  }
0x97: {  	_ =	strace $0x8FFFFFFF  }
0x98: {  	s18 =	sld [smem:$0x3FDB];
	_ =	sdelay $0x1  }
0x99: {  	s19 =	simm.s32 $_scs_section_size  }
0x9a: {  	s4 =	simm.s32 $_size__tile_overlayer_lowered;
	s5 =	simm.s32 $_tile_overlayer_lowered  }
0x9b: {  	s22 =	simm.s32 $0x1BFF;
	s21 =	sshll.u32 s5, $0x1;
	s2 =	sadd.s32 s19, s18  }
0x9c: {  	s6 =	simm.s32 $0x0;
	s20 =	sshll.u32 s4, $0x1;
	s4 =	sadd.s32 s21, s2  }
0x9d: {  	[timem:s6], [sflag:s22] =	dma.local [hbm:s4], s20  }
0x9e: {  	_ =	swait.ge [sflag:s22], s20  }
0x9f: {  	s3 =	ssub.s32 $0x0, s20;
	[sflag:s22] =	ssyncset.done $0x0  }
0xa0: {  	[sflag:s22] =	ssyncadd.s32 s3;
	_ =	sdelay $0x1  }
0xa1: {  	s23 =	simm.s32 $0x1B8B  }
0xa2: {  	_ =	swait.ge [sflag:s23], $0x1  }
0xa3: {  	[sflag:s23] =	ssyncset.done $0x0  }
0xa4: {  	s25 =	simm.s32 $0x1B8E;
	s24 =	sld [smem:$0x3FFE];
	[sflag:s23] =	ssyncadd.s32 $0xFFFFFFFF  }
0xa5: {  	s26 =	simm.s32 $execute0_lowered;
	[smem:$0x3FD2] =	sst s25  }
0xa6: {  	s4 =	sshll.u32 s26, $0x1;
	_ =	strace $0x80000046;
	[dreg:$0x1] =	wrdreg $0xFFFFFFFF  }
0xa7: {  	s28 =	simm.s32 $_size_execute0_lowered;
	s2 =	sadd.s32 s2, s4;
	[dreg:$0x0] =	wrdreg $0x0  }
0xa8: {  	s4 =	sshll.u32 s28, $0x1;
	[dreg:$0x2] =	wrdreg s2  }
0xa9: {  	[dreg:$0x3] =	wrdreg s4  }
0xaa: {  	[dreg:$0x4] =	wrdreg $0xC0  }
0xab: {  	_ =	task [dreg:s6], $0x5FFFF  }
0xac: {  	[dreg:$0x1] =	wrdreg $0xFFFFFFFF  }
0xad: {  	[dreg:$0x0] =	wrdreg $0x60  }
0xae: {  	[dreg:$0x2] =	wrdreg s24  }
0xaf: {  	[dreg:$0x3] =	wrdreg $0x9  }
0xb0: {  	_ =	task.clear_ibuf [dreg:s6], $0x4FFFF;
	_ =	strace $0x90000046  }
0xb1: {  	s29 =	simm.s32 $0x9;
	_ =	strace $0x80000048  }
0xb2: {  	_ =	swait.ge [sflag:s29], $0x1  }
0xb3: {  	[sflag:s29] =	ssyncadd.s32 $0xFFFFFFFF  }
0xb4: {  	_ =	strace $0x90000048  }
0xb5: {  	_ =	sfence  }
0xb6: {  	s30 =	sld [smem:$0x0];
	_ =	sdelay $0x2  }
0xb7: {  	s31 =	sshll.u32 s1, $0xD;
	s1 =	sshrl.u32 s1, $0x2  }
0xb8: {  	s3 =	sand.u32 $0x4000, s31;
	s1 =	sadd.s32 s1, s30  }
0xb9: {  	s0 =	sor.u32 s3, s0;
	s1 =	sshll.u32 s1, $0x11  }
0xba: {  	s0 =	sor.u32 s1, s0  }
0xbb: {  	s0 =	sadd.s32 $0x8F2B, s0  }
0xbc: {  	[sflag:s0] =	ssyncadd.remote.s32 $0x1  }
0xbd: {  	_ =	sfence.sel $0xFFFF  }
0xbe: {  	[dreg:$0x0] =	wrdreg $0xFFFFFFFF;
	(pc) =	sbr.abs _section_cstart, $3  }
0xbf: {  	[dreg:$0x1] =	wrdreg $0xFFFFFFFF  }
0xc0: {  	_ =	task.clear_ibuf [dreg:s6], $0x2FFFF;
	_ =	strace $0x9FFFFFFF  }
0xc1: {  	(tm) =	ssettm $0x7FFFFFFF  }
tec
execute0_lowered:
.L_overlay_start_1:
0x0: {  	(tag) =	ssettag $0x1  }
0x1: {  	s0 =	rddreg [dreg:$0x0];
	s6 =	simm.s32 $0x0;
	s4 =	stileid.u32  }
0x2: {  	s1 =	srdreg.scid;
	[smem:$0x7FF] =	sst s6;
	s2 =	sadd.s32 $0x400, s0  }
0x3: {  	s22 =	sadd.s32 $0x500, s0;
	_ =	strace $0x80000047;
	[dreg:$0x11] =	wrdreg s2  }
0x4: {  	s20 =	sshll.u32 s4, $0x9;
	s24 =	sadd.s32 $0x600, s0;
	[dreg:$0x13] =	wrdreg s22  }
0x5: {  	s1 =	sand.u32 $0x1, s1;
	s25 =	sadd.s32 $0x700, s0;
	[dreg:$0x14] =	wrdreg s24  }
0x6: {  	s4 =	sshll.u32 s4, $0x1;
	s26 =	sadd.s32 $0x800, s0;
	[dreg:$0x15] =	wrdreg s25  }
0x7: {  	s28 =	sadd.s32 $0x900, s0;
	s29 =	sadd.s32 $0xA00, s0;
	[dreg:$0x16] =	wrdreg s26  }
0x8: {  	s2 =	sand.u32 $0x1800, s20;
	s3 =	ssub.s32 $0x2, s1;
	[dreg:$0x17] =	wrdreg s28  }
0x9: {  	s4 =	sor.u32 s1, s4;
	[dreg:$0x18] =	wrdreg s29;
	s2 =	sadd.s32 s2, s0  }
0xa: {  	s5 =	sshrl.u32 s3, $0x1;
	[dreg:$0x12] =	wrdreg s4;
	s23 =	sshll.u32 s4, $0x4  }
0xb: {  	s0 =	sadd.s32 $0xB00, s0;
	s21 =	ssub.s32 s3, s5;
	s3 =	sand.u32 $0x70, s23  }
0xc: {  	v3 =	vlaneseq.u32;
	vm0 =	vmmov $0xffff;
	[dreg:$0x19] =	wrdreg s0;
	s2 =	sadd.s32 s3, s2;
	s31 =	smax.u32 s21, $0x1  }
0xd: {  	v4 =	vimm.f32 $0.0e+00;
	v2 =	vshrl.u32 v3, $0x3;
	v0 =	vmul.u32 $0x200, v3;
	s30 =	sadd.s32 $0x100400, s2;
	[dreg:$0x1b] =	wrdreg s31  }
0xe: {  	v1 =	vand.u32 $0x7, v3;
	v3 =	vor.u32 $0x8, v3;
	v2 =	vmul.u32 $0x8, v2;
	[dreg:$0x1a] =	wrdreg s30  }
.LBB2_1:
0xf: {  	[dreg:$0x10] =	wrdreg s6;
	s4 =	simm.s32 $0x0  }
.LBB2_2:
0x10: {  	s0 =	sshll.u32 s4, $0x9;
	s1 =	rddreg [dreg:$0x12]  }
0x11: {  	s0 =	sor.u32 s1, s0  }
0x12: {  	v5 =	vmov s0  }
0x13: {  	v6 =	vshll.u32 v5, $0x4  }
0x14: {  	v6 =	vor.u32 v0, v6  }
0x15: {  	v5 =	vand.u32 $0x7, v5;
	v6 =	vand.u32 $0x7FFFFF80, v6  }
0x16: {  	v5 =	vor.u32 v5, v6  }
0x17: {  	v6 =	vperm.xlane v5, v1;
	_ =	sdelay $0x1  }
0x18: {  	v6 =	vadd.s32 v2, v6;
	_ =	sdelay $0x3  }
0x19: {  	s10 =	simm.s32 $0x0;
	s1 =	rddreg [dreg:$0x11]  }
0x1a: {  	[tilespmem:s10], [sflag:$0x1] =	stream.indirect_vreg.gather [hbm4b:s1+s10], $0x80, v6, vm0, $0xb8;
	[tilespmem:$0x8800] =	vst v63  }
0x1b: {  	s9 =	rddreg [dreg:$0x13];
	s2 =	simm.s32 $0x800  }
0x1c: {  	[tilespmem:s2], [sflag:$0x1] =	stream.indirect_vreg.gather [hbm4b:s9+s10], $0x80, v6, vm0, $0xb8;
	[tilespmem:$0x8800] =	vst v63  }
0x1d: {  	s11 =	rddreg [dreg:$0x14];
	s3 =	simm.s32 $0x1000  }
0x1e: {  	[tilespmem:s3], [sflag:$0x1] =	stream.indirect_vreg.gather [hbm4b:s11+s10], $0x80, v6, vm0, $0xb8;
	[tilespmem:$0x8800] =	vst v63  }
0x1f: {  	s12 =	rddreg [dreg:$0x15];
	s13 =	simm.s32 $0x1800  }
0x20: {  	[tilespmem:s13], [sflag:$0x1] =	stream.indirect_vreg.gather [hbm4b:s12+s10], $0x80, v6, vm0, $0xb8;
	[tilespmem:$0x8800] =	vst v63  }
0x21: {  	s14 =	rddreg [dreg:$0x16];
	s5 =	simm.s32 $0x2000  }
0x22: {  	[tilespmem:s5], [sflag:$0x1] =	stream.indirect_vreg.gather [hbm4b:s14+s10], $0x80, v6, vm0, $0xb8;
	[tilespmem:$0x8800] =	vst v63  }
0x23: {  	s15 =	rddreg [dreg:$0x17];
	s6 =	simm.s32 $0x2800;
	v5 =	vperm.xlane v5, v3  }
0x24: {  	[tilespmem:s6], [sflag:$0x1] =	stream.indirect_vreg.gather [hbm4b:s15+s10], $0x80, v6, vm0, $0xb8;
	[tilespmem:$0x8800] =	vst v63  }
0x25: {  	s16 =	rddreg [dreg:$0x18];
	s7 =	simm.s32 $0x3000;
	v5 =	vadd.s32 v2, v5  }
0x26: {  	[tilespmem:s7], [sflag:$0x1] =	stream.indirect_vreg.gather [hbm4b:s16+s10], $0x80, v6, vm0, $0xb8;
	[tilespmem:$0x8800] =	vst v63  }
0x27: {  	s17 =	rddreg [dreg:$0x19];
	s8 =	simm.s32 $0x3800  }
0x28: {  	[tilespmem:s8], [sflag:$0x1] =	stream.indirect_vreg.gather [hbm4b:s17+s10], $0x80, v6, vm0, $0xb8;
	[tilespmem:$0x8800] =	vst v63  }
0x29: {  	s18 =	simm.s32 $0x4000  }
0x2a: {  	[tilespmem:s18], [sflag:$0x1] =	stream.indirect_vreg.gather [hbm4b:s1+s10], $0x80, v5, vm0, $0xb8;
	[tilespmem:$0x8800] =	vst v63  }
0x2b: {  	s19 =	simm.s32 $0x4800  }
0x2c: {  	[tilespmem:s19], [sflag:$0x1] =	stream.indirect_vreg.gather [hbm4b:s9+s10], $0x80, v5, vm0, $0xb8;
	[tilespmem:$0x8800] =	vst v63  }
0x2d: {  	s20 =	simm.s32 $0x5000  }
0x2e: {  	[tilespmem:s20], [sflag:$0x1] =	stream.indirect_vreg.gather [hbm4b:s11+s10], $0x80, v5, vm0, $0xb8;
	[tilespmem:$0x8800] =	vst v63  }
0x2f: {  	s21 =	simm.s32 $0x5800  }
0x30: {  	[tilespmem:s21], [sflag:$0x1] =	stream.indirect_vreg.gather [hbm4b:s12+s10], $0x80, v5, vm0, $0xb8;
	[tilespmem:$0x8800] =	vst v63  }
0x31: {  	s22 =	simm.s32 $0x6000  }
0x32: {  	[tilespmem:s22], [sflag:$0x1] =	stream.indirect_vreg.gather [hbm4b:s14+s10], $0x80, v5, vm0, $0xb8;
	[tilespmem:$0x8800] =	vst v63  }
0x33: {  	s23 =	simm.s32 $0x6800  }
0x34: {  	[tilespmem:s23], [sflag:$0x1] =	stream.indirect_vreg.gather [hbm4b:s15+s10], $0x80, v5, vm0, $0xb8;
	[tilespmem:$0x8800] =	vst v63  }
0x35: {  	s24 =	simm.s32 $0x7000  }
0x36: {  	[tilespmem:s24], [sflag:$0x1] =	stream.indirect_vreg.gather [hbm4b:s16+s10], $0x80, v5, vm0, $0xb8;
	[tilespmem:$0x8800] =	vst v63  }
0x37: {  	[dreg:$0x1c] =	wrdreg s4;
	s25 =	simm.s32 $0x7800;
	s26 =	simm.s32 $0x1  }
0x38: {  	[tilespmem:s25], [sflag:$0x1] =	stream.indirect_vreg.gather [hbm4b:s17+s10], $0x80, v5, vm0, $0xb8;
	[tilespmem:$0x8800] =	vst v63  }
0x39: {  	_ =	swait.ge [sflag:s26], $0x8000  }
0x3a: {  	s0 =	sand.u32 $0x3C00, s10;
	s1 =	sand.u32 $0x40, s10;
	[sflag:s26] =	ssyncset.done $0x0  }
0x3b: {  	s28 =	sor.u32 s1, s0;
	[sflag:s26] =	ssyncadd.s32 $0xFFFF8000  }
0x3c: {  	v5 =	vld [tilespmem:s28+$0x0]  }
0x3d: {  	v6 =	vld [tilespmem:s28+$0x80];
	_ =	sdelay $0x1  }
0x3e: {  	v7 =	vld [tilespmem:s28+$0x100];
	_ =	sdelay $0x1  }
0x3f: {  	v8 =	vld [tilespmem:s28+$0x180]  }
0x40: {  	v5 =	vadd.f32 v6, v5  }
0x41: {  	v6 =	vld [tilespmem:s28+$0x200]  }
0x42: {  	v5 =	vadd.f32 v7, v5  }
0x43: {  	v7 =	vld [tilespmem:s28+$0x280]  }
0x44: {  	v5 =	vadd.f32 v8, v5  }
0x45: {  	v8 =	vld [tilespmem:s28+$0x300]  }
0x46: {  	v5 =	vadd.f32 v6, v5  }
0x47: {  	s8 =	sor.u32 $0x4000, s0;
	v6 =	vld [tilespmem:s28+$0x380]  }
0x48: {  	s29 =	sor.u32 s1, s8;
	v5 =	vadd.f32 v7, v5  }
0x49: {  	s3 =	sor.u32 $0x4080, s0;
	v7 =	vld [tilespmem:s29+$0x0]  }
0x4a: {  	s30 =	sor.u32 s1, s3;
	v5 =	vadd.f32 v8, v5  }
0x4b: {  	s5 =	sor.u32 $0x4100, s0;
	v8 =	vld [tilespmem:s30+$0x0]  }
0x4c: {  	s31 =	sor.u32 s1, s5;
	v5 =	vadd.f32 v6, v5  }
0x4d: {  	s4 =	sor.u32 $0x4180, s0;
	v6 =	vld [tilespmem:s31+$0x0]  }
0x4e: {  	s6 =	sor.u32 s1, s4;
	v5 =	vadd.f32 v7, v5  }
0x4f: {  	s9 =	sor.u32 $0x4200, s0;
	v7 =	vld [tilespmem:s6+$0x0]  }
0x50: {  	s7 =	sor.u32 s1, s9;
	v5 =	vadd.f32 v8, v5  }
0x51: {  	s15 =	sor.u32 $0x4280, s0;
	v8 =	vld [tilespmem:s7+$0x0]  }
0x52: {  	s11 =	sor.u32 s1, s15;
	v5 =	vadd.f32 v6, v5  }
0x53: {  	s17 =	sor.u32 $0x4300, s0;
	v6 =	vld [tilespmem:s11+$0x0]  }
0x54: {  	s12 =	sor.u32 s1, s17;
	v5 =	vadd.f32 v7, v5  }
0x55: {  	s16 =	sor.u32 $0x4380, s0;
	v7 =	vld [tilespmem:s12+$0x0]  }
0x56: {  	s13 =	sor.u32 s1, s16;
	v5 =	vadd.f32 v8, v5  }
0x57: {  	v8 =	vld [tilespmem:s13+$0x0]  }
0x58: {  	v5 =	vadd.f32 v6, v5;
	_ =	sdelay $0x1  }
0x59: {  	v5 =	vadd.f32 v7, v5;
	_ =	sdelay $0x1  }
0x5a: {  	v5 =	vadd.f32 v8, v5;
	_ =	sdelay $0x1  }
0x5b: {  	vm1 =	vlt.f32 v5, $0.0e+00;
	vm2 =	vgt.f32 v5, $0.0e+00  }
0x5c: {  	vm1 =	vmor vm2, vm1  }
0x5d: {  	s18 =	sor.u32 $0x10, s1;
	s14 =	simm.s32 $0x8000;
	v5 =	vsel vm1, $0x3F800000, v4  }
0x5e: {  	s19 =	sor.u32 s18, s0;
	[tilespmem:s14+$0x0] =	vst v5  }
0x5f: {  	v5 =	vld [tilespmem:s19+$0x0]  }
0x60: {  	v6 =	vld [tilespmem:s19+$0x80];
	_ =	sdelay $0x1  }
0x61: {  	v7 =	vld [tilespmem:s19+$0x100];
	_ =	sdelay $0x1  }
0x62: {  	v8 =	vld [tilespmem:s19+$0x180]  }
0x63: {  	v5 =	vadd.f32 v6, v5  }
0x64: {  	v6 =	vld [tilespmem:s19+$0x200]  }
0x65: {  	v5 =	vadd.f32 v7, v5  }
0x66: {  	v7 =	vld [tilespmem:s19+$0x280]  }
0x67: {  	v5 =	vadd.f32 v8, v5  }
0x68: {  	v8 =	vld [tilespmem:s19+$0x300]  }
0x69: {  	v5 =	vadd.f32 v6, v5  }
0x6a: {  	v6 =	vld [tilespmem:s19+$0x380]  }
0x6b: {  	s20 =	sor.u32 s18, s8;
	v5 =	vadd.f32 v7, v5  }
0x6c: {  	v7 =	vld [tilespmem:s20+$0x0]  }
0x6d: {  	s21 =	sor.u32 s18, s3;
	v5 =	vadd.f32 v8, v5  }
0x6e: {  	v8 =	vld [tilespmem:s21+$0x0]  }
0x6f: {  	s22 =	sor.u32 s18, s5;
	v5 =	vadd.f32 v6, v5  }
0x70: {  	v6 =	vld [tilespmem:s22+$0x0]  }
0x71: {  	s23 =	sor.u32 s18, s4;
	v5 =	vadd.f32 v7, v5  }
0x72: {  	v7 =	vld [tilespmem:s23+$0x0]  }
0x73: {  	s24 =	sor.u32 s18, s9;
	v5 =	vadd.f32 v8, v5  }
0x74: {  	v8 =	vld [tilespmem:s24+$0x0]  }
0x75: {  	s25 =	sor.u32 s18, s15;
	v5 =	vadd.f32 v6, v5  }
0x76: {  	v6 =	vld [tilespmem:s25+$0x0]  }
0x77: {  	s26 =	sor.u32 s18, s17;
	v5 =	vadd.f32 v7, v5  }
0x78: {  	v7 =	vld [tilespmem:s26+$0x0]  }
0x79: {  	s28 =	sor.u32 s18, s16;
	v5 =	vadd.f32 v8, v5  }
0x7a: {  	v8 =	vld [tilespmem:s28+$0x0]  }
0x7b: {  	v5 =	vadd.f32 v6, v5;
	_ =	sdelay $0x1  }
0x7c: {  	v5 =	vadd.f32 v7, v5;
	_ =	sdelay $0x1  }
0x7d: {  	v5 =	vadd.f32 v8, v5;
	_ =	sdelay $0x1  }
0x7e: {  	s29 =	sand.u32 $0x780, s10;
	vm1 =	vlt.f32 v5, $0.0e+00;
	vm2 =	vgt.f32 v5, $0.0e+00  }
0x7f: {  	s2 =	sor.u32 $0x8000, s29;
	vm1 =	vmor vm2, vm1  }
0x80: {  	s30 =	sor.u32 $0x20, s1;
	s6 =	sor.u32 s18, s2;
	v5 =	vsel vm1, $0x3F800000, v4  }
0x81: {  	s31 =	sor.u32 s30, s0;
	[tilespmem:s6+$0x0] =	vst v5  }
0x82: {  	v5 =	vld [tilespmem:s31+$0x0]  }
0x83: {  	v6 =	vld [tilespmem:s31+$0x80];
	_ =	sdelay $0x1  }
0x84: {  	v7 =	vld [tilespmem:s31+$0x100];
	_ =	sdelay $0x1  }
0x85: {  	v8 =	vld [tilespmem:s31+$0x180]  }
0x86: {  	v5 =	vadd.f32 v6, v5  }
0x87: {  	v6 =	vld [tilespmem:s31+$0x200]  }
0x88: {  	v5 =	vadd.f32 v7, v5  }
0x89: {  	v7 =	vld [tilespmem:s31+$0x280]  }
0x8a: {  	v5 =	vadd.f32 v8, v5  }
0x8b: {  	v8 =	vld [tilespmem:s31+$0x300]  }
0x8c: {  	v5 =	vadd.f32 v6, v5  }
0x8d: {  	v6 =	vld [tilespmem:s31+$0x380]  }
0x8e: {  	s11 =	sor.u32 s30, s8;
	v5 =	vadd.f32 v7, v5  }
0x8f: {  	v7 =	vld [tilespmem:s11+$0x0]  }
0x90: {  	s12 =	sor.u32 s30, s3;
	v5 =	vadd.f32 v8, v5  }
0x91: {  	v8 =	vld [tilespmem:s12+$0x0]  }
0x92: {  	s13 =	sor.u32 s30, s5;
	v5 =	vadd.f32 v6, v5  }
0x93: {  	v6 =	vld [tilespmem:s13+$0x0]  }
0x94: {  	s14 =	sor.u32 s30, s4;
	v5 =	vadd.f32 v7, v5  }
0x95: {  	v7 =	vld [tilespmem:s14+$0x0]  }
0x96: {  	s18 =	sor.u32 s30, s9;
	v5 =	vadd.f32 v8, v5  }
0x97: {  	v8 =	vld [tilespmem:s18+$0x0]  }
0x98: {  	s19 =	sor.u32 s30, s15;
	v5 =	vadd.f32 v6, v5  }
0x99: {  	v6 =	vld [tilespmem:s19+$0x0]  }
0x9a: {  	s20 =	sor.u32 s30, s17;
	v5 =	vadd.f32 v7, v5  }
0x9b: {  	v7 =	vld [tilespmem:s20+$0x0]  }
0x9c: {  	s21 =	sor.u32 s30, s16;
	v5 =	vadd.f32 v8, v5  }
0x9d: {  	v8 =	vld [tilespmem:s21+$0x0]  }
0x9e: {  	v5 =	vadd.f32 v6, v5;
	_ =	sdelay $0x1  }
0x9f: {  	v5 =	vadd.f32 v7, v5;
	_ =	sdelay $0x1  }
0xa0: {  	v5 =	vadd.f32 v8, v5;
	_ =	sdelay $0x1  }
0xa1: {  	vm1 =	vlt.f32 v5, $0.0e+00;
	vm2 =	vgt.f32 v5, $0.0e+00  }
0xa2: {  	vm1 =	vmor vm2, vm1  }
0xa3: {  	s1 =	sor.u32 $0x30, s1;
	s22 =	sor.u32 s30, s2;
	v5 =	vsel vm1, $0x3F800000, v4  }
0xa4: {  	s0 =	sor.u32 s1, s0;
	[tilespmem:s22+$0x0] =	vst v5  }
0xa5: {  	v5 =	vld [tilespmem:s0+$0x0]  }
0xa6: {  	v6 =	vld [tilespmem:s0+$0x80];
	_ =	sdelay $0x1  }
0xa7: {  	v7 =	vld [tilespmem:s0+$0x100];
	_ =	sdelay $0x1  }
0xa8: {  	v8 =	vld [tilespmem:s0+$0x180]  }
0xa9: {  	v5 =	vadd.f32 v6, v5  }
0xaa: {  	v6 =	vld [tilespmem:s0+$0x200]  }
0xab: {  	v5 =	vadd.f32 v7, v5  }
0xac: {  	v7 =	vld [tilespmem:s0+$0x280]  }
0xad: {  	v5 =	vadd.f32 v8, v5  }
0xae: {  	v8 =	vld [tilespmem:s0+$0x300]  }
0xaf: {  	v5 =	vadd.f32 v6, v5  }
0xb0: {  	v6 =	vld [tilespmem:s0+$0x380]  }
0xb1: {  	s23 =	sor.u32 s1, s8;
	v5 =	vadd.f32 v7, v5  }
0xb2: {  	v7 =	vld [tilespmem:s23+$0x0]  }
0xb3: {  	s24 =	sor.u32 s1, s3;
	v5 =	vadd.f32 v8, v5  }
0xb4: {  	v8 =	vld [tilespmem:s24+$0x0]  }
0xb5: {  	s25 =	sor.u32 s1, s5;
	v5 =	vadd.f32 v6, v5  }
0xb6: {  	v6 =	vld [tilespmem:s25+$0x0]  }
0xb7: {  	s26 =	sor.u32 s1, s4;
	v5 =	vadd.f32 v7, v5  }
0xb8: {  	v7 =	vld [tilespmem:s26+$0x0]  }
0xb9: {  	s28 =	sor.u32 s1, s9;
	v5 =	vadd.f32 v8, v5  }
0xba: {  	v8 =	vld [tilespmem:s28+$0x0]  }
0xbb: {  	s29 =	sor.u32 s1, s15;
	v5 =	vadd.f32 v6, v5  }
0xbc: {  	v6 =	vld [tilespmem:s29+$0x0]  }
0xbd: {  	s30 =	sor.u32 s1, s17;
	v5 =	vadd.f32 v7, v5  }
0xbe: {  	v7 =	vld [tilespmem:s30+$0x0]  }
0xbf: {  	v5 =	vadd.f32 v8, v5;
	_ =	sdelay $0x1  }
0xc0: {  	v6 =	vadd.f32 v6, v5  }
0xc1: {  	s15 =	simm.s32 $0x0;
	s31 =	sor.u32 s1, s16  }
0xc2: {  	s17 =	simm.s32 $0x0;
	s3 =	sor.u32 s1, s2;
	s16 =	simm.s32 $0x8040;
	v5 =	vld [tilespmem:s31+$0x0];
	v6 =	vadd.f32 v7, v6  }
.LBB2_3:
0xc3: {  	_ =	sdelay $0x3  }
0xc4: {  	v5 =	vadd.f32 v5, v6;
	_ =	sdelay $0x1  }
0xc5: {  	vm1 =	vlt.f32 v5, $0.0e+00;
	vm2 =	vgt.f32 v5, $0.0e+00  }
0xc6: {  	s10 =	sadd.s32 $0x200, s10;
	s17 =	sadd.s32 $0x40, s17;
	vm1 =	vmor vm2, vm1  }
0xc7: {  	s28 =	sand.u32 $0x40, s17;
	s18 =	sand.u32 $0x3C00, s10;
	v5 =	vsel vm1, $0x3F800000, v4  }
0xc8: {  	s25 =	sor.u32 s28, s18;
	[tilespmem:s3+$0x0] =	vst v5  }
0xc9: {  	v5 =	vld [tilespmem:s25+$0x0]  }
0xca: {  	v6 =	vld [tilespmem:s25+$0x80];
	_ =	sdelay $0x1  }
0xcb: {  	v7 =	vld [tilespmem:s25+$0x100];
	_ =	sdelay $0x1  }
0xcc: {  	v8 =	vld [tilespmem:s25+$0x180]  }
0xcd: {  	v5 =	vadd.f32 v6, v5  }
0xce: {  	v6 =	vld [tilespmem:s25+$0x200]  }
0xcf: {  	v5 =	vadd.f32 v7, v5  }
0xd0: {  	v7 =	vld [tilespmem:s25+$0x280]  }
0xd1: {  	v5 =	vadd.f32 v8, v5  }
0xd2: {  	v8 =	vld [tilespmem:s25+$0x300]  }
0xd3: {  	v5 =	vadd.f32 v6, v5  }
0xd4: {  	s31 =	sor.u32 $0x4000, s18;
	v6 =	vld [tilespmem:s25+$0x380]  }
0xd5: {  	s29 =	sor.u32 s28, s31;
	v5 =	vadd.f32 v7, v5  }
0xd6: {  	s19 =	sor.u32 $0x4080, s18;
	v7 =	vld [tilespmem:s29+$0x0]  }
0xd7: {  	s23 =	sor.u32 s28, s19;
	v5 =	vadd.f32 v8, v5  }
0xd8: {  	s1 =	sor.u32 $0x4100, s18;
	v8 =	vld [tilespmem:s23+$0x0]  }
0xd9: {  	s24 =	sor.u32 s28, s1;
	v5 =	vadd.f32 v6, v5  }
0xda: {  	s4 =	sor.u32 $0x4180, s18;
	v6 =	vld [tilespmem:s24+$0x0]  }
0xdb: {  	s26 =	sor.u32 s28, s4;
	v5 =	vadd.f32 v7, v5  }
0xdc: {  	s12 =	sor.u32 $0x4200, s18;
	v7 =	vld [tilespmem:s26+$0x0]  }
0xdd: {  	s21 =	sor.u32 s28, s12;
	v5 =	vadd.f32 v8, v5  }
0xde: {  	s30 =	sor.u32 $0x4280, s18;
	v8 =	vld [tilespmem:s21+$0x0]  }
0xdf: {  	s20 =	sor.u32 s28, s30;
	v5 =	vadd.f32 v6, v5  }
0xe0: {  	s13 =	sor.u32 $0x4300, s18;
	v6 =	vld [tilespmem:s20+$0x0]  }
0xe1: {  	s22 =	sor.u32 s28, s13;
	v5 =	vadd.f32 v7, v5  }
0xe2: {  	s0 =	sor.u32 $0x4380, s18;
	v7 =	vld [tilespmem:s22+$0x0]  }
0xe3: {  	s14 =	sor.u32 s28, s0;
	s3 =	sor.u32 $0x10, s28;
	v5 =	vadd.f32 v8, v5  }
0xe4: {  	s5 =	sor.u32 s3, s30;
	v8 =	vld [tilespmem:s14+$0x0]  }
0xe5: {  	s8 =	sor.u32 s3, s13;
	[dreg:$0xf] =	wrdreg s5;
	v5 =	vadd.f32 v6, v5  }
0xe6: {  	[dreg:$0xe] =	wrdreg s8;
	s8 =	sor.u32 s3, s0;
	s5 =	sor.u32 $0x20, s28  }
0xe7: {  	[dreg:$0xd] =	wrdreg s8;
	s8 =	sor.u32 s5, s31;
	v5 =	vadd.f32 v7, v5  }
0xe8: {  	s28 =	sor.u32 $0x30, s28;
	[dreg:$0xc] =	wrdreg s8;
	s8 =	sor.u32 s5, s19  }
0xe9: {  	s6 =	sor.u32 s3, s19;
	s19 =	sor.u32 s28, s19;
	[dreg:$0xb] =	wrdreg s8;
	v5 =	vadd.f32 v8, v5  }
0xea: {  	s8 =	sor.u32 s5, s1;
	[dreg:$0x3] =	wrdreg s19  }
0xeb: {  	s9 =	sor.u32 s3, s12;
	s19 =	sor.u32 s28, s4;
	[dreg:$0xa] =	wrdreg s8;
	vm1 =	vlt.f32 v5, $0.0e+00;
	vm2 =	vgt.f32 v5, $0.0e+00  }
0xec: {  	s8 =	sor.u32 s5, s4;
	[dreg:$0x2] =	wrdreg s19;
	s19 =	sor.u32 s28, s12;
	vm1 =	vmor vm2, vm1  }
0xed: {  	[dreg:$0x9] =	wrdreg s8;
	s8 =	sor.u32 s5, s12;
	s12 =	sor.u32 s28, s30;
	v5 =	vsel vm1, $0x3F800000, v4  }
0xee: {  	[dreg:$0x8] =	wrdreg s8;
	s8 =	sor.u32 s5, s30;
	s30 =	sor.u32 s3, s18;
	[tilespmem:s16+$0x0] =	vst v5  }
0xef: {  	v5 =	vld [tilespmem:s30+$0x0]  }
0xf0: {  	v6 =	vld [tilespmem:s30+$0x80];
	_ =	sdelay $0x1  }
0xf1: {  	v7 =	vld [tilespmem:s30+$0x100];
	_ =	sdelay $0x1  }
0xf2: {  	v8 =	vld [tilespmem:s30+$0x180]  }
0xf3: {  	v5 =	vadd.f32 v6, v5  }
0xf4: {  	v6 =	vld [tilespmem:s30+$0x200]  }
0xf5: {  	v5 =	vadd.f32 v7, v5  }
0xf6: {  	v7 =	vld [tilespmem:s30+$0x280]  }
0xf7: {  	v5 =	vadd.f32 v8, v5  }
0xf8: {  	v8 =	vld [tilespmem:s30+$0x300]  }
0xf9: {  	v5 =	vadd.f32 v6, v5  }
0xfa: {  	v6 =	vld [tilespmem:s30+$0x380]  }
0xfb: {  	s2 =	sor.u32 s3, s31;
	v5 =	vadd.f32 v7, v5  }
0xfc: {  	v7 =	vld [tilespmem:s2+$0x0]  }
0xfd: {  	v5 =	vadd.f32 v8, v5  }
0xfe: {  	v8 =	vld [tilespmem:s6+$0x0]  }
0xff: {  	s11 =	sor.u32 s3, s1;
	v5 =	vadd.f32 v6, v5  }
0x100: {  	v6 =	vld [tilespmem:s11+$0x0]  }
0x101: {  	s7 =	sor.u32 s3, s4;
	v5 =	vadd.f32 v7, v5  }
0x102: {  	v7 =	vld [tilespmem:s7+$0x0]  }
0x103: {  	s31 =	sor.u32 s28, s31;
	v5 =	vadd.f32 v8, v5  }
0x104: {  	[dreg:$0x4] =	wrdreg s31;
	v8 =	vld [tilespmem:s9+$0x0]  }
0x105: {  	s31 =	sor.u32 s28, s1;
	s1 =	rddreg [dreg:$0xf];
	v5 =	vadd.f32 v6, v5  }
0x106: {  	v6 =	vld [tilespmem:s1+$0x0]  }
0x107: {  	s2 =	rddreg [dreg:$0xe];
	v5 =	vadd.f32 v7, v5  }
0x108: {  	v7 =	vld [tilespmem:s2+$0x0]  }
0x109: {  	s6 =	rddreg [dreg:$0xd];
	v5 =	vadd.f32 v8, v5  }
0x10a: {  	v8 =	vld [tilespmem:s6+$0x0]  }
0x10b: {  	v5 =	vadd.f32 v6, v5;
	_ =	sdelay $0x1  }
0x10c: {  	v5 =	vadd.f32 v7, v5;
	_ =	sdelay $0x1  }
0x10d: {  	v5 =	vadd.f32 v8, v5  }
0x10e: {  	[dreg:$0x7] =	wrdreg s8;
	s8 =	sor.u32 s5, s13  }
0x10f: {  	[dreg:$0x6] =	wrdreg s8;
	s8 =	sor.u32 s5, s0;
	s7 =	sand.u32 $0x780, s17;
	vm1 =	vlt.f32 v5, $0.0e+00;
	vm2 =	vgt.f32 v5, $0.0e+00  }
0x110: {  	[dreg:$0x5] =	wrdreg s8;
	s8 =	sor.u32 $0x8000, s7;
	vm1 =	vmor vm2, vm1  }
0x111: {  	s9 =	sor.u32 s3, s8;
	v5 =	vsel vm1, $0x3F800000, v4  }
0x112: {  	s11 =	sor.u32 s5, s18;
	[tilespmem:s9+$0x0] =	vst v5  }
0x113: {  	v5 =	vld [tilespmem:s11+$0x0]  }
0x114: {  	v6 =	vld [tilespmem:s11+$0x80];
	_ =	sdelay $0x1  }
0x115: {  	v7 =	vld [tilespmem:s11+$0x100];
	_ =	sdelay $0x1  }
0x116: {  	v8 =	vld [tilespmem:s11+$0x180]  }
0x117: {  	v5 =	vadd.f32 v6, v5  }
0x118: {  	v6 =	vld [tilespmem:s11+$0x200]  }
0x119: {  	v5 =	vadd.f32 v7, v5  }
0x11a: {  	v7 =	vld [tilespmem:s11+$0x280]  }
0x11b: {  	v5 =	vadd.f32 v8, v5  }
0x11c: {  	v8 =	vld [tilespmem:s11+$0x300]  }
0x11d: {  	v5 =	vadd.f32 v6, v5  }
0x11e: {  	v6 =	vld [tilespmem:s11+$0x380]  }
0x11f: {  	s14 =	rddreg [dreg:$0xc];
	v5 =	vadd.f32 v7, v5  }
0x120: {  	v7 =	vld [tilespmem:s14+$0x0]  }
0x121: {  	s20 =	rddreg [dreg:$0xb];
	v5 =	vadd.f32 v8, v5  }
0x122: {  	v8 =	vld [tilespmem:s20+$0x0]  }
0x123: {  	s21 =	rddreg [dreg:$0xa];
	v5 =	vadd.f32 v6, v5  }
0x124: {  	v6 =	vld [tilespmem:s21+$0x0]  }
0x125: {  	s22 =	rddreg [dreg:$0x9];
	v5 =	vadd.f32 v7, v5  }
0x126: {  	v7 =	vld [tilespmem:s22+$0x0]  }
0x127: {  	s23 =	rddreg [dreg:$0x8];
	v5 =	vadd.f32 v8, v5  }
0x128: {  	v8 =	vld [tilespmem:s23+$0x0]  }
0x129: {  	s24 =	rddreg [dreg:$0x7];
	v5 =	vadd.f32 v6, v5  }
0x12a: {  	v6 =	vld [tilespmem:s24+$0x0]  }
0x12b: {  	s25 =	rddreg [dreg:$0x6];
	v5 =	vadd.f32 v7, v5  }
0x12c: {  	v7 =	vld [tilespmem:s25+$0x0]  }
0x12d: {  	s26 =	rddreg [dreg:$0x5];
	v5 =	vadd.f32 v8, v5  }
0x12e: {  	v8 =	vld [tilespmem:s26+$0x0]  }
0x12f: {  	v5 =	vadd.f32 v6, v5;
	_ =	sdelay $0x1  }
0x130: {  	v5 =	vadd.f32 v7, v5;
	_ =	sdelay $0x1  }
0x131: {  	v5 =	vadd.f32 v8, v5;
	_ =	sdelay $0x1  }
0x132: {  	vm1 =	vlt.f32 v5, $0.0e+00;
	vm2 =	vgt.f32 v5, $0.0e+00  }
0x133: {  	vm1 =	vmor vm2, vm1  }
0x134: {  	s4 =	sor.u32 s28, s0;
	s0 =	sor.u32 s5, s8;
	v5 =	vsel vm1, $0x3F800000, v4  }
0x135: {  	s13 =	sor.u32 s28, s13;
	s3 =	sor.u32 s28, s8;
	s28 =	sor.u32 s28, s18;
	[tilespmem:s0+$0x0] =	vst v5  }
0x136: {  	v5 =	vld [tilespmem:s28+$0x0]  }
0x137: {  	v6 =	vld [tilespmem:s28+$0x80];
	_ =	sdelay $0x1  }
0x138: {  	v7 =	vld [tilespmem:s28+$0x100];
	_ =	sdelay $0x1  }
0x139: {  	v8 =	vld [tilespmem:s28+$0x180]  }
0x13a: {  	v5 =	vadd.f32 v6, v5  }
0x13b: {  	v9 =	vld [tilespmem:s28+$0x200]  }
0x13c: {  	v5 =	vadd.f32 v7, v5  }
0x13d: {  	v10 =	vld [tilespmem:s28+$0x280]  }
0x13e: {  	v5 =	vadd.f32 v8, v5  }
0x13f: {  	v6 =	vld [tilespmem:s28+$0x300]  }
0x140: {  	v5 =	vadd.f32 v9, v5  }
0x141: {  	v11 =	vld [tilespmem:s28+$0x380]  }
0x142: {  	s29 =	rddreg [dreg:$0x4];
	v10 =	vadd.f32 v10, v5  }
0x143: {  	v7 =	vld [tilespmem:s29+$0x0]  }
0x144: {  	s30 =	rddreg [dreg:$0x3];
	v6 =	vadd.f32 v6, v10  }
0x145: {  	v12 =	vld [tilespmem:s30+$0x0]  }
0x146: {  	v6 =	vadd.f32 v11, v6  }
0x147: {  	v8 =	vld [tilespmem:s31+$0x0]  }
0x148: {  	s31 =	rddreg [dreg:$0x2];
	v6 =	vadd.f32 v7, v6  }
0x149: {  	v13 =	vld [tilespmem:s31+$0x0]  }
0x14a: {  	v6 =	vadd.f32 v12, v6  }
0x14b: {  	v63 =	vld [tilespmem:s19+$0x0]  }
0x14c: {  	v6 =	vadd.f32 v8, v6  }
0x14d: {  	v14 =	vld [tilespmem:s12+$0x0]  }
0x14e: {  	s15 =	sadd.s32 $0x4, s15;
	v6 =	vadd.f32 v13, v6  }
0x14f: {  	p0 =	slt.u32 s15, $0x7C;
	v15 =	vld [tilespmem:s13+$0x0]  }
.Ltmp0:
0x150: {  	v6 =	vadd.f32 v63, v6;
	(pc) =	sbr.rel @p0 .LBB2_3-.Ltmp0, $3  }
0x151: {  	_ = 	snop  }
0x152: {  	v6 =	vadd.f32 v14, v6;
	_ =	sdelay $0x1  }
0x153: {  	s16 =	sadd.s32 $0x40, s16;
	v5 =	vld [tilespmem:s4+$0x0];
	v6 =	vadd.f32 v15, v6  }
0x154: {  	_ =	sdelay $0x3  }
0x155: {  	v5 =	vadd.f32 v5, v6  }
0x156: {  	s4 =	rddreg [dreg:$0x1c]  }
0x157: {  	s1 =	rddreg [dreg:$0x1a];
	vm1 =	vlt.f32 v5, $0.0e+00;
	vm2 =	vgt.f32 v5, $0.0e+00  }
0x158: {  	s29 =	simm.s32 $0x80;
	s0 =	sshll.u32 s4, $0xD;
	s4 =	sadd.s32 $0x1, s4;
	vm1 =	vmor vm2, vm1  }
0x159: {  	s2 =	simm.s32 $0x400;
	s30 =	simm.s32 $0x8000;
	p0 =	sne.s32 s4, $0x8;
	v5 =	vsel vm1, $0x3F800000, v4  }
.Ltmp1:
0x15a: {  	s31 =	simm.s32 $0x2;
	s0 =	sadd.s32 s0, s1;
	[tilespmem:s3+$0x0] =	vst v5;
	(pc) =	sbr.rel @p0 .LBB2_2-.Ltmp1, $4  }
0x15b: {  	[hbm4b:s0+s29] =	stream.strided.scatter [tilespmem:s30], [sflag:$0x2], $0x800, s2, s29, $0x38;
	[tilespmem:$0x8800] =	vst v63  }
0x15c: {  	_ =	swait.ge [sflag:s31], $0x800  }
0x15d: {  	[sflag:s31] =	ssyncset.done $0x0  }
0x15e: {  	[sflag:s31] =	ssyncadd.s32 $0xFFFFF800  }
0x15f: {  	s6 =	rddreg [dreg:$0x10]  }
0x160: {  	s0 =	rddreg [dreg:$0x1b];
	s6 =	sadd.s32 $0x1, s6  }
0x161: {  	p0 =	sne.s32 s6, s0  }
.Ltmp2:
0x162: {  	_ = 	snop;
	(pc) =	sbr.rel @p0 .LBB2_1-.Ltmp2, $1  }
0x163: {  	_ =	sdelay $0x3  }
0x164: {  	_ =	sfence.sel $0x180000  }
0x165: {  	[bflag:$0x0] =	sbarrier.arrive $0xFFFF  }
0x166: {  	_ =	strace $0x90000047  }
0x167: {  	s0 =	stileid.u32;
	[bflag:$0x2] =	sbarrier.arrive $0xFFFF  }
0x168: {  	p0 =	sne.s32 s0, $0x0;
	s0 =	rddreg [dreg:$0x1]  }
0x169: {  	s0 =	sadd.s32 @!p0 $0x100000, s0  }
0x16a: {  	[sflag:s0] =	ssyncadd.tile.s32 @!p0 $0x1;
	_ =	shalt  }
.Lfunc_end2:
_tile_overlayer_lowered:
.L_overlay_start_2:
0x16b: {  	(tag) =	ssettag $0x2  }
0x16c: {  	s0 =	rddreg [dreg:$0x0];
	s2 =	stileid.u32  }
0x16d: {  	s1 =	rddreg [dreg:$0x1];
	p0 =	sne.s32 s2, $0x0  }
0x16e: {  	s3 =	rddreg [dreg:$0x2];
	[bflag:$0x3] =	sbarrier.arrive $0xFFFF;
	s2 =	simm.s32 @!p0 $0x1C02  }
0x16f: {  	[timem:s3], [sflag:s2] =	dma.local @!p0 [hbm:s0], s1  }
0x170: {  	s0 =	simm.s32 @!p0 $0x2  }
0x171: {  	_ =	swait.ge @!p0 [sflag:s0], s1  }
0x172: {  	s1 =	ssub.s32 @!p0 $0x0, s1;
	[sflag:s0] =	ssyncset.done @!p0 $0x0  }
0x173: {  	[sflag:s0] =	ssyncadd.s32 @!p0 s1  }
0x174: {  	[bflag:$0x3] =	sbarrier.arrive $0xFFFF  }
0x175: {  	_ =	shalt  }

</sc_bundles>
